<compile_context>
chip_gen: v7x
topology: tpu7x:2x2x1
jax: 0.10.2.dev20260603
libtpu: 0.0.44.dev20260713+nightly
codegen_flags: <defaults>
</compile_context>

<pallas_src>
import jax
import jax.numpy as jnp
from jax import lax
from jax.experimental import pallas as pl
from jax.experimental.pallas import tpu as pltpu
from jax.experimental.pallas import tpu_sc as plsc

_Q = 100000
_B = 16384
_D = 128
_L = 16
_NC = 2
_NS = 16
_NW = _NC * _NS
_PER_W = _B // _NW
_CH = 128
_NCH = _PER_W // _CH
_MAIN = _PER_W - _L


def _scatter_body(bf_hbm, bl_hbm, idx_hbm, outf_hbm, outl_hbm,
                  idx16_v, rows_v, labs_v, labs2_v, didx_v, eidx_v,
                  sem_r, sem_l, sem_s):
    c = lax.axis_index("c")
    s = lax.axis_index("s")
    wid = s * _NC + c
    base = wid * _PER_W

    cp_rows = pltpu.async_copy(
        bf_hbm.at[pl.ds(base * _D, _PER_W * _D)], rows_v, sem_r)
    cp_labs = pltpu.async_copy(bl_hbm.at[pl.ds(base, _PER_W)], labs_v, sem_l)

    pltpu.sync_copy(idx_hbm, idx16_v)
    ivec0 = idx16_v[...]
    ivec = ivec0 + base + lax.iota(jnp.int32, 16)
    for k in range(_PER_W // _L):
        d = ivec + (k * _L)
        d = jnp.where(d >= _Q, d - _Q, d)
        didx_v[k // (_CH // _L), pl.ds((k % (_CH // _L)) * _L, _L)] = d
        if k == 0:
            eidx_v[0, :] = d
        if k == _PER_W // _L - 1:
            eidx_v[1, :] = d

    dst = ivec0[0] + base
    dst = jnp.where(dst >= _Q, dst - _Q, dst)
    h = (8 - (dst & 7)) & 7
    no_wrap = dst <= _Q - _PER_W

    cp_rows.wait()
    cp_labs.wait()

    for k in range(_MAIN // _L):
        labs2_v[pl.ds(k * _L, _L)] = labs_v[pl.ds(h + k * _L, _L)]

    @pl.when(no_wrap)
    def _():
        cpf = pltpu.async_copy(
            rows_v, outf_hbm.at[pl.ds(pl.multiple_of(dst * _D, 8),
                                      _PER_W * _D)], sem_s)
        cpl = pltpu.async_copy(
            labs2_v, outl_hbm.at[pl.ds(pl.multiple_of(dst + h, 8), _MAIN)],
            sem_l)
        cpf.wait()
        cpl.wait()

    @pl.when(jnp.logical_not(no_wrap))
    def _():
        def row_copy(r, _):
            dr = dst + r
            dr = jnp.where(dr >= _Q, dr - _Q, dr)
            pltpu.sync_copy(
                rows_v.at[pl.ds(pl.multiple_of(r * _D, 8), _D)],
                outf_hbm.at[pl.ds(pl.multiple_of(dr * _D, 8), _D)])
            return _
        lax.fori_loop(0, _PER_W, row_copy, 0)
        cps = []
        for j in range(_NCH):
            cps.append(pltpu.async_copy(
                labs_v.at[pl.ds(j * _CH, _CH)], outl_hbm.at[didx_v.at[j]],
                sem_l))
        for cp in cps:
            cp.wait()

    e0l = pltpu.async_copy(
        labs_v.at[pl.ds(0, _L)], outl_hbm.at[eidx_v.at[0]], sem_l)
    e1l = pltpu.async_copy(
        labs_v.at[pl.ds(_PER_W - _L, _L)], outl_hbm.at[eidx_v.at[1]], sem_l)
    e0l.wait()
    e1l.wait()


_scatter_fn = pl.kernel(
    _scatter_body,
    out_type=(),
    mesh=plsc.VectorSubcoreMesh(core_axis_name="c", subcore_axis_name="s"),
    scratch_types=[
        pltpu.VMEM((_L,), jnp.int32),
        pltpu.VMEM((_PER_W * _D,), jnp.float32),
        pltpu.VMEM((_PER_W,), jnp.int32),
        pltpu.VMEM((_MAIN,), jnp.int32),
        pltpu.VMEM((_NCH, _CH), jnp.int32),
        pltpu.VMEM((2, _L), jnp.int32),
        pltpu.SemaphoreType.DMA,
        pltpu.SemaphoreType.DMA,
        pltpu.SemaphoreType.DMA,
    ],
)


def kernel(batch_features, batch_labels, features, labels, index):
    idx0 = jnp.asarray(index, jnp.int32) % _Q
    idx_arr = jnp.full((_L,), idx0, jnp.int32)
    f_ref = jax.new_ref(features.reshape(-1))
    l_ref = jax.new_ref(labels)
    _scatter_fn(batch_features.reshape(-1), batch_labels, idx_arr,
                f_ref, l_ref)
    return f_ref[...].reshape(_Q, _D), l_ref[...]

# --- scband reference (transcript-rebuilt; emitter-appended) ---
"""Pipeline reference for scband-key-memory-42374147343098 (READ-ONLY COPY).

The authoritative reference and input builder live on the scoring server;
editing this copy changes nothing except your own understanding.
"""

import jax, jax.numpy as jnp
import numpy as np
import math

QUEUE_SIZE = 100000
FEATURE_DIM = 128
BATCH = 16384


def setup_inputs(seed: int = 0) -> dict:
    key = jax.random.key(seed)
    k1, k2, k3, k4 = jax.random.split(key, 4)
    batch_features = jax.random.normal(k1, (BATCH, FEATURE_DIM), dtype=jnp.float32)
    batch_labels = jax.random.randint(k2, (BATCH,), 0, 1000).astype(jnp.int32)
    # buffer 'features' initialized as rand * 2*stdv - stdv, matching torch init
    stdv = 1.0 / math.sqrt(FEATURE_DIM / 3)
    features = jax.random.uniform(k3, (QUEUE_SIZE, FEATURE_DIM), dtype=jnp.float32) * (2 * stdv) - stdv
    labels = jax.random.randint(k4, (QUEUE_SIZE,), 0, 1000).astype(jnp.int32)
    index = 12345
    return {
        "batch_features": batch_features,
        "batch_labels": batch_labels,
        "features": features,
        "labels": labels,
        "index": index,
    }


def reference(batch_features, batch_labels, features, labels, index):
    # Faithful translation of KeyMemory.store_keys:
    #   new_indices = fmod(arange(B) + index, queue_size)
    #   features.index_copy_(0, new_indices, batch_features)  -> scatter overwrite
    #   labels.index_copy_(0, new_indices, batch_labels)      -> scatter overwrite
    batch_size = batch_features.shape[0]
    queue_size = features.shape[0]
    new_indices = (jnp.arange(batch_size, dtype=jnp.int32) + index) % queue_size
    new_features = features.at[new_indices].set(batch_features)
    new_labels = labels.at[new_indices].set(batch_labels)
    return (new_features, new_labels)

if __name__ == "__main__":
    import jax
    _d = setup_inputs()
    print(jax.jit(kernel)(*tuple(_d.values())))

</pallas_src>

<mosaic_0001>
#map = affine_map<(d0, d1) -> (0)>
module attributes {stable_mosaic.version = 14 : i64} {
  func.func @new_body(%arg0: i32, %arg1: i32, %arg2: memref<2097152xf32, #tpu.memory_space<hbm>>, %arg3: memref<16384xi32, #tpu.memory_space<hbm>>, %arg4: memref<16xi32, #tpu.memory_space<hbm>>, %arg5: memref<12800000xf32, #tpu.memory_space<hbm>>, %arg6: memref<100000xi32, #tpu.memory_space<hbm>>, %arg7: memref<12800000xf32, #tpu.memory_space<hbm>>, %arg8: memref<100000xi32, #tpu.memory_space<hbm>>, %arg9: memref<16xi32, #tpu.memory_space<vmem>>, %arg10: memref<65536xf32, #tpu.memory_space<vmem>>, %arg11: memref<512xi32, #tpu.memory_space<vmem>>, %arg12: memref<496xi32, #tpu.memory_space<vmem>>, %arg13: memref<4x128xi32, #tpu.memory_space<vmem>>, %arg14: memref<2x16xi32, #tpu.memory_space<vmem>>, %arg15: memref<!tpu.dma_semaphore, #tpu.memory_space<semaphore_mem>>, %arg16: memref<!tpu.dma_semaphore, #tpu.memory_space<semaphore_mem>>, %arg17: memref<!tpu.dma_semaphore, #tpu.memory_space<semaphore_mem>>) attributes {dimension_semantics = [#tpu.dimension_semantics<core_parallel>, #tpu.dimension_semantics<subcore_parallel>], iteration_bounds = array<i64: 2, 16>, scalar_prefetch = 0 : i64, scratch_operands = 9 : i64, tpu.core_type = #tpu.core_type<sc_vector_subcore>, window_params = [{transform_indices = #map}, {transform_indices = #map}, {transform_indices = #map}, {transform_indices = #map}, {transform_indices = #map}, {transform_indices = #map}, {transform_indices = #map}]} {
    %mul3A = arith.constant 2 : i32
    %mul3A_0 = arith.muli %arg1, %mul3A : i32
    %add3A = arith.addi %mul3A_0, %arg0 : i32
    %mul3A_1 = arith.constant 512 : i32
    %mul3A_2 = arith.muli %add3A, %mul3A_1 : i32
    %mul3A_3 = arith.constant 128 : i32
    %mul3A_4 = arith.muli %mul3A_2, %mul3A_3 : i32
    %dma_start3A = tpu.memref_slice %arg2[%mul3A_4] : memref<2097152xf32, #tpu.memory_space<hbm>> -> memref<65536xf32, #tpu.memory_space<hbm>>
    %dma_start3A_5 = tpu.memref_slice %arg2[%mul3A_4] : memref<2097152xf32, #tpu.memory_space<hbm>> -> memref<65536xf32, #tpu.memory_space<hbm>>
    tpu.enqueue_dma source(%dma_start3A_5 : memref<65536xf32, #tpu.memory_space<hbm>>) target(%arg10 : memref<65536xf32, #tpu.memory_space<vmem>>) target_semaphore(%arg15 : memref<!tpu.dma_semaphore, #tpu.memory_space<semaphore_mem>>)
    %dma_start3A_6 = tpu.memref_slice %arg3[%mul3A_2] : memref<16384xi32, #tpu.memory_space<hbm>> -> memref<512xi32, #tpu.memory_space<hbm>>
    %dma_start3A_7 = tpu.memref_slice %arg3[%mul3A_2] : memref<16384xi32, #tpu.memory_space<hbm>> -> memref<512xi32, #tpu.memory_space<hbm>>
    tpu.enqueue_dma source(%dma_start3A_7 : memref<512xi32, #tpu.memory_space<hbm>>) target(%arg11 : memref<512xi32, #tpu.memory_space<vmem>>) target_semaphore(%arg16 : memref<!tpu.dma_semaphore, #tpu.memory_space<semaphore_mem>>)
    "tpu.region"() ({
      %run_scoped3A = tpu.sem_alloc : memref<!tpu.dma_semaphore, #tpu.memory_space<semaphore_mem>>
      tpu.enqueue_dma source(%arg4 : memref<16xi32, #tpu.memory_space<hbm>>) target(%arg9 : memref<16xi32, #tpu.memory_space<vmem>>) target_semaphore(%run_scoped3A : memref<!tpu.dma_semaphore, #tpu.memory_space<semaphore_mem>>)
      tpu.wait_dma2 semaphore(%run_scoped3A : memref<!tpu.dma_semaphore, #tpu.memory_space<semaphore_mem>>) src(%arg4 : memref<16xi32, #tpu.memory_space<hbm>>) dst(%arg9 : memref<16xi32, #tpu.memory_space<vmem>>)
      tpu.yield
    }) : () -> ()
    %get3A = arith.constant 0 : index
    %get3A_8 = tpu.vector_load %arg9[%get3A] {strides = array<i32>} : memref<16xi32, #tpu.memory_space<vmem>>, vector<16xi32>,
    %get3A_9 = vector.shape_cast %get3A_8 : vector<16xi32> to vector<16xi32>
    %add3A_10 = vector.broadcast %mul3A_2 : i32 to vector<16xi32>
    %add3A_11 = arith.addi %get3A_9, %add3A_10 : vector<16xi32>
    %iota3A = tpu.iota {dimensions = array<i32: 0>} : vector<16xi32>
    %add3A_12 = arith.addi %add3A_11, %iota3A : vector<16xi32>
    %add3A_13 = arith.constant 0 : i32
    %add3A_14 = vector.broadcast %add3A_13 : i32 to vector<16xi32>
    %add3A_15 = arith.addi %add3A_12, %add3A_14 : vector<16xi32>
    %ge3A = arith.constant 100000 : i32
    %ge3A_16 = vector.broadcast %ge3A : i32 to vector<16xi32>
    %ge3A_17 = arith.cmpi sge, %add3A_15, %ge3A_16 : vector<16xi32>
    %sub3A = arith.constant 100000 : i32
    %sub3A_18 = vector.broadcast %sub3A : i32 to vector<16xi32>
    %sub3A_19 = arith.subi %add3A_15, %sub3A_18 : vector<16xi32>
    %select_n3A = arith.select %ge3A_17, %sub3A_19, %add3A_15 : vector<16xi1>, vector<16xi32>
    %swap3A = arith.constant 0 : i32
    %swap3A_20 = arith.index_cast %swap3A : i32 to index
    %swap3A_21 = arith.constant 0 : index
    %swap3A_22 = tpu.vector_load %arg13[%swap3A_20, %swap3A_21] {strides = array<i32>} : memref<4x128xi32, #tpu.memory_space<vmem>>, vector<1x16xi32>,
    %swap3A_23 = vector.shape_cast %swap3A_22 : vector<1x16xi32> to vector<16xi32>
    %swap3A_24 = vector.shape_cast %select_n3A : vector<16xi32> to vector<1x16xi32>
    tpu.vector_store %arg13[%swap3A_20, %swap3A_21], %swap3A_24 {strides = array<i32>} : memref<4x128xi32, #tpu.memory_space<vmem>>, vector<1x16xi32>,
    %swap3A_25 = arith.constant 0 : i32
    %swap3A_26 = arith.index_cast %swap3A_25 : i32 to index
    %swap3A_27 = arith.constant 0 : index
    %swap3A_28 = tpu.vector_load %arg14[%swap3A_26, %swap3A_27] {strides = array<i32>} : memref<2x16xi32, #tpu.memory_space<vmem>>, vector<1x16xi32>,
    %swap3A_29 = vector.shape_cast %swap3A_28 : vector<1x16xi32> to vector<16xi32>
    %swap3A_30 = vector.shape_cast %select_n3A : vector<16xi32> to vector<1x16xi32>
    tpu.vector_store %arg14[%swap3A_26, %swap3A_27], %swap3A_30 {strides = array<i32>} : memref<2x16xi32, #tpu.memory_space<vmem>>, vector<1x16xi32>,
    %add3A_31 = arith.constant 16 : i32
    %add3A_32 = vector.broadcast %add3A_31 : i32 to vector<16xi32>
    %add3A_33 = arith.addi %add3A_12, %add3A_32 : vector<16xi32>
    %ge3A_34 = arith.constant 100000 : i32
    %ge3A_35 = vector.broadcast %ge3A_34 : i32 to vector<16xi32>
    %ge3A_36 = arith.cmpi sge, %add3A_33, %ge3A_35 : vector<16xi32>
    %sub3A_37 = arith.constant 100000 : i32
    %sub3A_38 = vector.broadcast %sub3A_37 : i32 to vector<16xi32>
    %sub3A_39 = arith.subi %add3A_33, %sub3A_38 : vector<16xi32>
    %select_n3A_40 = arith.select %ge3A_36, %sub3A_39, %add3A_33 : vector<16xi1>, vector<16xi32>
    %swap3A_41 = arith.constant 0 : i32
    %swap3A_42 = arith.index_cast %swap3A_41 : i32 to index
    %swap3A_43 = arith.constant 16 : index
    %swap3A_44 = tpu.vector_load %arg13[%swap3A_42, %swap3A_43] {strides = array<i32>} : memref<4x128xi32, #tpu.memory_space<vmem>>, vector<1x16xi32>,
    %swap3A_45 = vector.shape_cast %swap3A_44 : vector<1x16xi32> to vector<16xi32>
    %swap3A_46 = vector.shape_cast %select_n3A_40 : vector<16xi32> to vector<1x16xi32>
    tpu.vector_store %arg13[%swap3A_42, %swap3A_43], %swap3A_46 {strides = array<i32>} : memref<4x128xi32, #tpu.memory_space<vmem>>, vector<1x16xi32>,
    %add3A_47 = arith.constant 32 : i32
    %add3A_48 = vector.broadcast %add3A_47 : i32 to vector<16xi32>
    %add3A_49 = arith.addi %add3A_12, %add3A_48 : vector<16xi32>
    %ge3A_50 = arith.constant 100000 : i32
    %ge3A_51 = vector.broadcast %ge3A_50 : i32 to vector<16xi32>
    %ge3A_52 = arith.cmpi sge, %add3A_49, %ge3A_51 : vector<16xi32>
    %sub3A_53 = arith.constant 100000 : i32
    %sub3A_54 = vector.broadcast %sub3A_53 : i32 to vector<16xi32>
    %sub3A_55 = arith.subi %add3A_49, %sub3A_54 : vector<16xi32>
    %select_n3A_56 = arith.select %ge3A_52, %sub3A_55, %add3A_49 : vector<16xi1>, vector<16xi32>
    %swap3A_57 = arith.constant 0 : i32
    %swap3A_58 = arith.index_cast %swap3A_57 : i32 to index
    %swap3A_59 = arith.constant 32 : index
    %swap3A_60 = tpu.vector_load %arg13[%swap3A_58, %swap3A_59] {strides = array<i32>} : memref<4x128xi32, #tpu.memory_space<vmem>>, vector<1x16xi32>,
    %swap3A_61 = vector.shape_cast %swap3A_60 : vector<1x16xi32> to vector<16xi32>
    %swap3A_62 = vector.shape_cast %select_n3A_56 : vector<16xi32> to vector<1x16xi32>
    tpu.vector_store %arg13[%swap3A_58, %swap3A_59], %swap3A_62 {strides = array<i32>} : memref<4x128xi32, #tpu.memory_space<vmem>>, vector<1x16xi32>,
    %add3A_63 = arith.constant 48 : i32
    %add3A_64 = vector.broadcast %add3A_63 : i32 to vector<16xi32>
    %add3A_65 = arith.addi %add3A_12, %add3A_64 : vector<16xi32>
    %ge3A_66 = arith.constant 100000 : i32
    %ge3A_67 = vector.broadcast %ge3A_66 : i32 to vector<16xi32>
    %ge3A_68 = arith.cmpi sge, %add3A_65, %ge3A_67 : vector<16xi32>
    %sub3A_69 = arith.constant 100000 : i32
    %sub3A_70 = vector.broadcast %sub3A_69 : i32 to vector<16xi32>
    %sub3A_71 = arith.subi %add3A_65, %sub3A_70 : vector<16xi32>
    %select_n3A_72 = arith.select %ge3A_68, %sub3A_71, %add3A_65 : vector<16xi1>, vector<16xi32>
    %swap3A_73 = arith.constant 0 : i32
    %swap3A_74 = arith.index_cast %swap3A_73 : i32 to index
    %swap3A_75 = arith.constant 48 : index
    %swap3A_76 = tpu.vector_load %arg13[%swap3A_74, %swap3A_75] {strides = array<i32>} : memref<4x128xi32, #tpu.memory_space<vmem>>, vector<1x16xi32>,
    %swap3A_77 = vector.shape_cast %swap3A_76 : vector<1x16xi32> to vector<16xi32>
    %swap3A_78 = vector.shape_cast %select_n3A_72 : vector<16xi32> to vector<1x16xi32>
    tpu.vector_store %arg13[%swap3A_74, %swap3A_75], %swap3A_78 {strides = array<i32>} : memref<4x128xi32, #tpu.memory_space<vmem>>, vector<1x16xi32>,
    %add3A_79 = arith.constant 64 : i32
    %add3A_80 = vector.broadcast %add3A_79 : i32 to vector<16xi32>
    %add3A_81 = arith.addi %add3A_12, %add3A_80 : vector<16xi32>
    %ge3A_82 = arith.constant 100000 : i32
    %ge3A_83 = vector.broadcast %ge3A_82 : i32 to vector<16xi32>
    %ge3A_84 = arith.cmpi sge, %add3A_81, %ge3A_83 : vector<16xi32>
    %sub3A_85 = arith.constant 100000 : i32
    %sub3A_86 = vector.broadcast %sub3A_85 : i32 to vector<16xi32>
    %sub3A_87 = arith.subi %add3A_81, %sub3A_86 : vector<16xi32>
    %select_n3A_88 = arith.select %ge3A_84, %sub3A_87, %add3A_81 : vector<16xi1>, vector<16xi32>
    %swap3A_89 = arith.constant 0 : i32
    %swap3A_90 = arith.index_cast %swap3A_89 : i32 to index
    %swap3A_91 = arith.constant 64 : index
    %swap3A_92 = tpu.vector_load %arg13[%swap3A_90, %swap3A_91] {strides = array<i32>} : memref<4x128xi32, #tpu.memory_space<vmem>>, vector<1x16xi32>,
    %swap3A_93 = vector.shape_cast %swap3A_92 : vector<1x16xi32> to vector<16xi32>
    %swap3A_94 = vector.shape_cast %select_n3A_88 : vector<16xi32> to vector<1x16xi32>
    tpu.vector_store %arg13[%swap3A_90, %swap3A_91], %swap3A_94 {strides = array<i32>} : memref<4x128xi32, #tpu.memory_space<vmem>>, vector<1x16xi32>,
    %add3A_95 = arith.constant 80 : i32
    %add3A_96 = vector.broadcast %add3A_95 : i32 to vector<16xi32>
    %add3A_97 = arith.addi %add3A_12, %add3A_96 : vector<16xi32>
    %ge3A_98 = arith.constant 100000 : i32
    %ge3A_99 = vector.broadcast %ge3A_98 : i32 to vector<16xi32>
    %ge3A_100 = arith.cmpi sge, %add3A_97, %ge3A_99 : vector<16xi32>
    %sub3A_101 = arith.constant 100000 : i32
    %sub3A_102 = vector.broadcast %sub3A_101 : i32 to vector<16xi32>
    %sub3A_103 = arith.subi %add3A_97, %sub3A_102 : vector<16xi32>
    %select_n3A_104 = arith.select %ge3A_100, %sub3A_103, %add3A_97 : vector<16xi1>, vector<16xi32>
    %swap3A_105 = arith.constant 0 : i32
    %swap3A_106 = arith.index_cast %swap3A_105 : i32 to index
    %swap3A_107 = arith.constant 80 : index
    %swap3A_108 = tpu.vector_load %arg13[%swap3A_106, %swap3A_107] {strides = array<i32>} : memref<4x128xi32, #tpu.memory_space<vmem>>, vector<1x16xi32>,
    %swap3A_109 = vector.shape_cast %swap3A_108 : vector<1x16xi32> to vector<16xi32>
    %swap3A_110 = vector.shape_cast %select_n3A_104 : vector<16xi32> to vector<1x16xi32>
    tpu.vector_store %arg13[%swap3A_106, %swap3A_107], %swap3A_110 {strides = array<i32>} : memref<4x128xi32, #tpu.memory_space<vmem>>, vector<1x16xi32>,
    %add3A_111 = arith.constant 96 : i32
    %add3A_112 = vector.broadcast %add3A_111 : i32 to vector<16xi32>
    %add3A_113 = arith.addi %add3A_12, %add3A_112 : vector<16xi32>
    %ge3A_114 = arith.constant 100000 : i32
    %ge3A_115 = vector.broadcast %ge3A_114 : i32 to vector<16xi32>
    %ge3A_116 = arith.cmpi sge, %add3A_113, %ge3A_115 : vector<16xi32>
    %sub3A_117 = arith.constant 100000 : i32
    %sub3A_118 = vector.broadcast %sub3A_117 : i32 to vector<16xi32>
    %sub3A_119 = arith.subi %add3A_113, %sub3A_118 : vector<16xi32>
    %select_n3A_120 = arith.select %ge3A_116, %sub3A_119, %add3A_113 : vector<16xi1>, vector<16xi32>
    %swap3A_121 = arith.constant 0 : i32
    %swap3A_122 = arith.index_cast %swap3A_121 : i32 to index
    %swap3A_123 = arith.constant 96 : index
    %swap3A_124 = tpu.vector_load %arg13[%swap3A_122, %swap3A_123] {strides = array<i32>} : memref<4x128xi32, #tpu.memory_space<vmem>>, vector<1x16xi32>,
    %swap3A_125 = vector.shape_cast %swap3A_124 : vector<1x16xi32> to vector<16xi32>
    %swap3A_126 = vector.shape_cast %select_n3A_120 : vector<16xi32> to vector<1x16xi32>
    tpu.vector_store %arg13[%swap3A_122, %swap3A_123], %swap3A_126 {strides = array<i32>} : memref<4x128xi32, #tpu.memory_space<vmem>>, vector<1x16xi32>,
    %add3A_127 = arith.constant 112 : i32
    %add3A_128 = vector.broadcast %add3A_127 : i32 to vector<16xi32>
    %add3A_129 = arith.addi %add3A_12, %add3A_128 : vector<16xi32>
    %ge3A_130 = arith.constant 100000 : i32
    %ge3A_131 = vector.broadcast %ge3A_130 : i32 to vector<16xi32>
    %ge3A_132 = arith.cmpi sge, %add3A_129, %ge3A_131 : vector<16xi32>
    %sub3A_133 = arith.constant 100000 : i32
    %sub3A_134 = vector.broadcast %sub3A_133 : i32 to vector<16xi32>
    %sub3A_135 = arith.subi %add3A_129, %sub3A_134 : vector<16xi32>
    %select_n3A_136 = arith.select %ge3A_132, %sub3A_135, %add3A_129 : vector<16xi1>, vector<16xi32>
    %swap3A_137 = arith.constant 0 : i32
    %swap3A_138 = arith.index_cast %swap3A_137 : i32 to index
    %swap3A_139 = arith.constant 112 : index
    %swap3A_140 = tpu.vector_load %arg13[%swap3A_138, %swap3A_139] {strides = array<i32>} : memref<4x128xi32, #tpu.memory_space<vmem>>, vector<1x16xi32>,
    %swap3A_141 = vector.shape_cast %swap3A_140 : vector<1x16xi32> to vector<16xi32>
    %swap3A_142 = vector.shape_cast %select_n3A_136 : vector<16xi32> to vector<1x16xi32>
    tpu.vector_store %arg13[%swap3A_138, %swap3A_139], %swap3A_142 {strides = array<i32>} : memref<4x128xi32, #tpu.memory_space<vmem>>, vector<1x16xi32>,
    %add3A_143 = arith.constant 128 : i32
    %add3A_144 = vector.broadcast %add3A_143 : i32 to vector<16xi32>
    %add3A_145 = arith.addi %add3A_12, %add3A_144 : vector<16xi32>
    %ge3A_146 = arith.constant 100000 : i32
    %ge3A_147 = vector.broadcast %ge3A_146 : i32 to vector<16xi32>
    %ge3A_148 = arith.cmpi sge, %add3A_145, %ge3A_147 : vector<16xi32>
    %sub3A_149 = arith.constant 100000 : i32
    %sub3A_150 = vector.broadcast %sub3A_149 : i32 to vector<16xi32>
    %sub3A_151 = arith.subi %add3A_145, %sub3A_150 : vector<16xi32>
    %select_n3A_152 = arith.select %ge3A_148, %sub3A_151, %add3A_145 : vector<16xi1>, vector<16xi32>
    %swap3A_153 = arith.constant 1 : i32
    %swap3A_154 = arith.index_cast %swap3A_153 : i32 to index
    %swap3A_155 = arith.constant 0 : index
    %swap3A_156 = tpu.vector_load %arg13[%swap3A_154, %swap3A_155] {strides = array<i32>} : memref<4x128xi32, #tpu.memory_space<vmem>>, vector<1x16xi32>,
    %swap3A_157 = vector.shape_cast %swap3A_156 : vector<1x16xi32> to vector<16xi32>
    %swap3A_158 = vector.shape_cast %select_n3A_152 : vector<16xi32> to vector<1x16xi32>
    tpu.vector_store %arg13[%swap3A_154, %swap3A_155], %swap3A_158 {strides = array<i32>} : memref<4x128xi32, #tpu.memory_space<vmem>>, vector<1x16xi32>,
    %add3A_159 = arith.constant 144 : i32
    %add3A_160 = vector.broadcast %add3A_159 : i32 to vector<16xi32>
    %add3A_161 = arith.addi %add3A_12, %add3A_160 : vector<16xi32>
    %ge3A_162 = arith.constant 100000 : i32
    %ge3A_163 = vector.broadcast %ge3A_162 : i32 to vector<16xi32>
    %ge3A_164 = arith.cmpi sge, %add3A_161, %ge3A_163 : vector<16xi32>
    %sub3A_165 = arith.constant 100000 : i32
    %sub3A_166 = vector.broadcast %sub3A_165 : i32 to vector<16xi32>
    %sub3A_167 = arith.subi %add3A_161, %sub3A_166 : vector<16xi32>
    %select_n3A_168 = arith.select %ge3A_164, %sub3A_167, %add3A_161 : vector<16xi1>, vector<16xi32>
    %swap3A_169 = arith.constant 1 : i32
    %swap3A_170 = arith.index_cast %swap3A_169 : i32 to index
    %swap3A_171 = arith.constant 16 : index
    %swap3A_172 = tpu.vector_load %arg13[%swap3A_170, %swap3A_171] {strides = array<i32>} : memref<4x128xi32, #tpu.memory_space<vmem>>, vector<1x16xi32>,
    %swap3A_173 = vector.shape_cast %swap3A_172 : vector<1x16xi32> to vector<16xi32>
    %swap3A_174 = vector.shape_cast %select_n3A_168 : vector<16xi32> to vector<1x16xi32>
    tpu.vector_store %arg13[%swap3A_170, %swap3A_171], %swap3A_174 {strides = array<i32>} : memref<4x128xi32, #tpu.memory_space<vmem>>, vector<1x16xi32>,
    %add3A_175 = arith.constant 160 : i32
    %add3A_176 = vector.broadcast %add3A_175 : i32 to vector<16xi32>
    %add3A_177 = arith.addi %add3A_12, %add3A_176 : vector<16xi32>
    %ge3A_178 = arith.constant 100000 : i32
    %ge3A_179 = vector.broadcast %ge3A_178 : i32 to vector<16xi32>
    %ge3A_180 = arith.cmpi sge, %add3A_177, %ge3A_179 : vector<16xi32>
    %sub3A_181 = arith.constant 100000 : i32
    %sub3A_182 = vector.broadcast %sub3A_181 : i32 to vector<16xi32>
    %sub3A_183 = arith.subi %add3A_177, %sub3A_182 : vector<16xi32>
    %select_n3A_184 = arith.select %ge3A_180, %sub3A_183, %add3A_177 : vector<16xi1>, vector<16xi32>
    %swap3A_185 = arith.constant 1 : i32
    %swap3A_186 = arith.index_cast %swap3A_185 : i32 to index
    %swap3A_187 = arith.constant 32 : index
    %swap3A_188 = tpu.vector_load %arg13[%swap3A_186, %swap3A_187] {strides = array<i32>} : memref<4x128xi32, #tpu.memory_space<vmem>>, vector<1x16xi32>,
    %swap3A_189 = vector.shape_cast %swap3A_188 : vector<1x16xi32> to vector<16xi32>
    %swap3A_190 = vector.shape_cast %select_n3A_184 : vector<16xi32> to vector<1x16xi32>
    tpu.vector_store %arg13[%swap3A_186, %swap3A_187], %swap3A_190 {strides = array<i32>} : memref<4x128xi32, #tpu.memory_space<vmem>>, vector<1x16xi32>,
    %add3A_191 = arith.constant 176 : i32
    %add3A_192 = vector.broadcast %add3A_191 : i32 to vector<16xi32>
    %add3A_193 = arith.addi %add3A_12, %add3A_192 : vector<16xi32>
    %ge3A_194 = arith.constant 100000 : i32
    %ge3A_195 = vector.broadcast %ge3A_194 : i32 to vector<16xi32>
    %ge3A_196 = arith.cmpi sge, %add3A_193, %ge3A_195 : vector<16xi32>
    %sub3A_197 = arith.constant 100000 : i32
    %sub3A_198 = vector.broadcast %sub3A_197 : i32 to vector<16xi32>
    %sub3A_199 = arith.subi %add3A_193, %sub3A_198 : vector<16xi32>
    %select_n3A_200 = arith.select %ge3A_196, %sub3A_199, %add3A_193 : vector<16xi1>, vector<16xi32>
    %swap3A_201 = arith.constant 1 : i32
    %swap3A_202 = arith.index_cast %swap3A_201 : i32 to index
    %swap3A_203 = arith.constant 48 : index
    %swap3A_204 = tpu.vector_load %arg13[%swap3A_202, %swap3A_203] {strides = array<i32>} : memref<4x128xi32, #tpu.memory_space<vmem>>, vector<1x16xi32>,
    %swap3A_205 = vector.shape_cast %swap3A_204 : vector<1x16xi32> to vector<16xi32>
    %swap3A_206 = vector.shape_cast %select_n3A_200 : vector<16xi32> to vector<1x16xi32>
    tpu.vector_store %arg13[%swap3A_202, %swap3A_203], %swap3A_206 {strides = array<i32>} : memref<4x128xi32, #tpu.memory_space<vmem>>, vector<1x16xi32>,
    %add3A_207 = arith.constant 192 : i32
    %add3A_208 = vector.broadcast %add3A_207 : i32 to vector<16xi32>
    %add3A_209 = arith.addi %add3A_12, %add3A_208 : vector<16xi32>
    %ge3A_210 = arith.constant 100000 : i32
    %ge3A_211 = vector.broadcast %ge3A_210 : i32 to vector<16xi32>
    %ge3A_212 = arith.cmpi sge, %add3A_209, %ge3A_211 : vector<16xi32>
    %sub3A_213 = arith.constant 100000 : i32
    %sub3A_214 = vector.broadcast %sub3A_213 : i32 to vector<16xi32>
    %sub3A_215 = arith.subi %add3A_209, %sub3A_214 : vector<16xi32>
    %select_n3A_216 = arith.select %ge3A_212, %sub3A_215, %add3A_209 : vector<16xi1>, vector<16xi32>
    %swap3A_217 = arith.constant 1 : i32
    %swap3A_218 = arith.index_cast %swap3A_217 : i32 to index
    %swap3A_219 = arith.constant 64 : index
    %swap3A_220 = tpu.vector_load %arg13[%swap3A_218, %swap3A_219] {strides = array<i32>} : memref<4x128xi32, #tpu.memory_space<vmem>>, vector<1x16xi32>,
    %swap3A_221 = vector.shape_cast %swap3A_220 : vector<1x16xi32> to vector<16xi32>
    %swap3A_222 = vector.shape_cast %select_n3A_216 : vector<16xi32> to vector<1x16xi32>
    tpu.vector_store %arg13[%swap3A_218, %swap3A_219], %swap3A_222 {strides = array<i32>} : memref<4x128xi32, #tpu.memory_space<vmem>>, vector<1x16xi32>,
    %add3A_223 = arith.constant 208 : i32
    %add3A_224 = vector.broadcast %add3A_223 : i32 to vector<16xi32>
    %add3A_225 = arith.addi %add3A_12, %add3A_224 : vector<16xi32>
    %ge3A_226 = arith.constant 100000 : i32
    %ge3A_227 = vector.broadcast %ge3A_226 : i32 to vector<16xi32>
    %ge3A_228 = arith.cmpi sge, %add3A_225, %ge3A_227 : vector<16xi32>
    %sub3A_229 = arith.constant 100000 : i32
    %sub3A_230 = vector.broadcast %sub3A_229 : i32 to vector<16xi32>
    %sub3A_231 = arith.subi %add3A_225, %sub3A_230 : vector<16xi32>
    %select_n3A_232 = arith.select %ge3A_228, %sub3A_231, %add3A_225 : vector<16xi1>, vector<16xi32>
    %swap3A_233 = arith.constant 1 : i32
    %swap3A_234 = arith.index_cast %swap3A_233 : i32 to index
    %swap3A_235 = arith.constant 80 : index
    %swap3A_236 = tpu.vector_load %arg13[%swap3A_234, %swap3A_235] {strides = array<i32>} : memref<4x128xi32, #tpu.memory_space<vmem>>, vector<1x16xi32>,
    %swap3A_237 = vector.shape_cast %swap3A_236 : vector<1x16xi32> to vector<16xi32>
    %swap3A_238 = vector.shape_cast %select_n3A_232 : vector<16xi32> to vector<1x16xi32>
    tpu.vector_store %arg13[%swap3A_234, %swap3A_235], %swap3A_238 {strides = array<i32>} : memref<4x128xi32, #tpu.memory_space<vmem>>, vector<1x16xi32>,
    %add3A_239 = arith.constant 224 : i32
    %add3A_240 = vector.broadcast %add3A_239 : i32 to vector<16xi32>
    %add3A_241 = arith.addi %add3A_12, %add3A_240 : vector<16xi32>
    %ge3A_242 = arith.constant 100000 : i32
    %ge3A_243 = vector.broadcast %ge3A_242 : i32 to vector<16xi32>
    %ge3A_244 = arith.cmpi sge, %add3A_241, %ge3A_243 : vector<16xi32>
    %sub3A_245 = arith.constant 100000 : i32
    %sub3A_246 = vector.broadcast %sub3A_245 : i32 to vector<16xi32>
    %sub3A_247 = arith.subi %add3A_241, %sub3A_246 : vector<16xi32>
    %select_n3A_248 = arith.select %ge3A_244, %sub3A_247, %add3A_241 : vector<16xi1>, vector<16xi32>
    %swap3A_249 = arith.constant 1 : i32
    %swap3A_250 = arith.index_cast %swap3A_249 : i32 to index
    %swap3A_251 = arith.constant 96 : index
    %swap3A_252 = tpu.vector_load %arg13[%swap3A_250, %swap3A_251] {strides = array<i32>} : memref<4x128xi32, #tpu.memory_space<vmem>>, vector<1x16xi32>,
    %swap3A_253 = vector.shape_cast %swap3A_252 : vector<1x16xi32> to vector<16xi32>
    %swap3A_254 = vector.shape_cast %select_n3A_248 : vector<16xi32> to vector<1x16xi32>
    tpu.vector_store %arg13[%swap3A_250, %swap3A_251], %swap3A_254 {strides = array<i32>} : memref<4x128xi32, #tpu.memory_space<vmem>>, vector<1x16xi32>,
    %add3A_255 = arith.constant 240 : i32
    %add3A_256 = vector.broadcast %add3A_255 : i32 to vector<16xi32>
    %add3A_257 = arith.addi %add3A_12, %add3A_256 : vector<16xi32>
    %ge3A_258 = arith.constant 100000 : i32
    %ge3A_259 = vector.broadcast %ge3A_258 : i32 to vector<16xi32>
    %ge3A_260 = arith.cmpi sge, %add3A_257, %ge3A_259 : vector<16xi32>
    %sub3A_261 = arith.constant 100000 : i32
    %sub3A_262 = vector.broadcast %sub3A_261 : i32 to vector<16xi32>
    %sub3A_263 = arith.subi %add3A_257, %sub3A_262 : vector<16xi32>
    %select_n3A_264 = arith.select %ge3A_260, %sub3A_263, %add3A_257 : vector<16xi1>, vector<16xi32>
    %swap3A_265 = arith.constant 1 : i32
    %swap3A_266 = arith.index_cast %swap3A_265 : i32 to index
    %swap3A_267 = arith.constant 112 : index
    %swap3A_268 = tpu.vector_load %arg13[%swap3A_266, %swap3A_267] {strides = array<i32>} : memref<4x128xi32, #tpu.memory_space<vmem>>, vector<1x16xi32>,
    %swap3A_269 = vector.shape_cast %swap3A_268 : vector<1x16xi32> to vector<16xi32>
    %swap3A_270 = vector.shape_cast %select_n3A_264 : vector<16xi32> to vector<1x16xi32>
    tpu.vector_store %arg13[%swap3A_266, %swap3A_267], %swap3A_270 {strides = array<i32>} : memref<4x128xi32, #tpu.memory_space<vmem>>, vector<1x16xi32>,
    %add3A_271 = arith.constant 256 : i32
    %add3A_272 = vector.broadcast %add3A_271 : i32 to vector<16xi32>
    %add3A_273 = arith.addi %add3A_12, %add3A_272 : vector<16xi32>
    %ge3A_274 = arith.constant 100000 : i32
    %ge3A_275 = vector.broadcast %ge3A_274 : i32 to vector<16xi32>
    %ge3A_276 = arith.cmpi sge, %add3A_273, %ge3A_275 : vector<16xi32>
    %sub3A_277 = arith.constant 100000 : i32
    %sub3A_278 = vector.broadcast %sub3A_277 : i32 to vector<16xi32>
    %sub3A_279 = arith.subi %add3A_273, %sub3A_278 : vector<16xi32>
    %select_n3A_280 = arith.select %ge3A_276, %sub3A_279, %add3A_273 : vector<16xi1>, vector<16xi32>
    %swap3A_281 = arith.constant 2 : i32
    %swap3A_282 = arith.index_cast %swap3A_281 : i32 to index
    %swap3A_283 = arith.constant 0 : index
    %swap3A_284 = tpu.vector_load %arg13[%swap3A_282, %swap3A_283] {strides = array<i32>} : memref<4x128xi32, #tpu.memory_space<vmem>>, vector<1x16xi32>,
    %swap3A_285 = vector.shape_cast %swap3A_284 : vector<1x16xi32> to vector<16xi32>
    %swap3A_286 = vector.shape_cast %select_n3A_280 : vector<16xi32> to vector<1x16xi32>
    tpu.vector_store %arg13[%swap3A_282, %swap3A_283], %swap3A_286 {strides = array<i32>} : memref<4x128xi32, #tpu.memory_space<vmem>>, vector<1x16xi32>,
    %add3A_287 = arith.constant 272 : i32
    %add3A_288 = vector.broadcast %add3A_287 : i32 to vector<16xi32>
    %add3A_289 = arith.addi %add3A_12, %add3A_288 : vector<16xi32>
    %ge3A_290 = arith.constant 100000 : i32
    %ge3A_291 = vector.broadcast %ge3A_290 : i32 to vector<16xi32>
    %ge3A_292 = arith.cmpi sge, %add3A_289, %ge3A_291 : vector<16xi32>
    %sub3A_293 = arith.constant 100000 : i32
    %sub3A_294 = vector.broadcast %sub3A_293 : i32 to vector<16xi32>
    %sub3A_295 = arith.subi %add3A_289, %sub3A_294 : vector<16xi32>
    %select_n3A_296 = arith.select %ge3A_292, %sub3A_295, %add3A_289 : vector<16xi1>, vector<16xi32>
    %swap3A_297 = arith.constant 2 : i32
    %swap3A_298 = arith.index_cast %swap3A_297 : i32 to index
    %swap3A_299 = arith.constant 16 : index
    %swap3A_300 = tpu.vector_load %arg13[%swap3A_298, %swap3A_299] {strides = array<i32>} : memref<4x128xi32, #tpu.memory_space<vmem>>, vector<1x16xi32>,
    %swap3A_301 = vector.shape_cast %swap3A_300 : vector<1x16xi32> to vector<16xi32>
    %swap3A_302 = vector.shape_cast %select_n3A_296 : vector<16xi32> to vector<1x16xi32>
    tpu.vector_store %arg13[%swap3A_298, %swap3A_299], %swap3A_302 {strides = array<i32>} : memref<4x128xi32, #tpu.memory_space<vmem>>, vector<1x16xi32>,
    %add3A_303 = arith.constant 288 : i32
    %add3A_304 = vector.broadcast %add3A_303 : i32 to vector<16xi32>
    %add3A_305 = arith.addi %add3A_12, %add3A_304 : vector<16xi32>
    %ge3A_306 = arith.constant 100000 : i32
    %ge3A_307 = vector.broadcast %ge3A_306 : i32 to vector<16xi32>
    %ge3A_308 = arith.cmpi sge, %add3A_305, %ge3A_307 : vector<16xi32>
    %sub3A_309 = arith.constant 100000 : i32
    %sub3A_310 = vector.broadcast %sub3A_309 : i32 to vector<16xi32>
    %sub3A_311 = arith.subi %add3A_305, %sub3A_310 : vector<16xi32>
    %select_n3A_312 = arith.select %ge3A_308, %sub3A_311, %add3A_305 : vector<16xi1>, vector<16xi32>
    %swap3A_313 = arith.constant 2 : i32
    %swap3A_314 = arith.index_cast %swap3A_313 : i32 to index
    %swap3A_315 = arith.constant 32 : index
    %swap3A_316 = tpu.vector_load %arg13[%swap3A_314, %swap3A_315] {strides = array<i32>} : memref<4x128xi32, #tpu.memory_space<vmem>>, vector<1x16xi32>,
    %swap3A_317 = vector.shape_cast %swap3A_316 : vector<1x16xi32> to vector<16xi32>
    %swap3A_318 = vector.shape_cast %select_n3A_312 : vector<16xi32> to vector<1x16xi32>
    tpu.vector_store %arg13[%swap3A_314, %swap3A_315], %swap3A_318 {strides = array<i32>} : memref<4x128xi32, #tpu.memory_space<vmem>>, vector<1x16xi32>,
    %add3A_319 = arith.constant 304 : i32
    %add3A_320 = vector.broadcast %add3A_319 : i32 to vector<16xi32>
    %add3A_321 = arith.addi %add3A_12, %add3A_320 : vector<16xi32>
    %ge3A_322 = arith.constant 100000 : i32
    %ge3A_323 = vector.broadcast %ge3A_322 : i32 to vector<16xi32>
    %ge3A_324 = arith.cmpi sge, %add3A_321, %ge3A_323 : vector<16xi32>
    %sub3A_325 = arith.constant 100000 : i32
    %sub3A_326 = vector.broadcast %sub3A_325 : i32 to vector<16xi32>
    %sub3A_327 = arith.subi %add3A_321, %sub3A_326 : vector<16xi32>
    %select_n3A_328 = arith.select %ge3A_324, %sub3A_327, %add3A_321 : vector<16xi1>, vector<16xi32>
    %swap3A_329 = arith.constant 2 : i32
    %swap3A_330 = arith.index_cast %swap3A_329 : i32 to index
    %swap3A_331 = arith.constant 48 : index
    %swap3A_332 = tpu.vector_load %arg13[%swap3A_330, %swap3A_331] {strides = array<i32>} : memref<4x128xi32, #tpu.memory_space<vmem>>, vector<1x16xi32>,
    %swap3A_333 = vector.shape_cast %swap3A_332 : vector<1x16xi32> to vector<16xi32>
    %swap3A_334 = vector.shape_cast %select_n3A_328 : vector<16xi32> to vector<1x16xi32>
    tpu.vector_store %arg13[%swap3A_330, %swap3A_331], %swap3A_334 {strides = array<i32>} : memref<4x128xi32, #tpu.memory_space<vmem>>, vector<1x16xi32>,
    %add3A_335 = arith.constant 320 : i32
    %add3A_336 = vector.broadcast %add3A_335 : i32 to vector<16xi32>
    %add3A_337 = arith.addi %add3A_12, %add3A_336 : vector<16xi32>
    %ge3A_338 = arith.constant 100000 : i32
    %ge3A_339 = vector.broadcast %ge3A_338 : i32 to vector<16xi32>
    %ge3A_340 = arith.cmpi sge, %add3A_337, %ge3A_339 : vector<16xi32>
    %sub3A_341 = arith.constant 100000 : i32
    %sub3A_342 = vector.broadcast %sub3A_341 : i32 to vector<16xi32>
    %sub3A_343 = arith.subi %add3A_337, %sub3A_342 : vector<16xi32>
    %select_n3A_344 = arith.select %ge3A_340, %sub3A_343, %add3A_337 : vector<16xi1>, vector<16xi32>
    %swap3A_345 = arith.constant 2 : i32
    %swap3A_346 = arith.index_cast %swap3A_345 : i32 to index
    %swap3A_347 = arith.constant 64 : index
    %swap3A_348 = tpu.vector_load %arg13[%swap3A_346, %swap3A_347] {strides = array<i32>} : memref<4x128xi32, #tpu.memory_space<vmem>>, vector<1x16xi32>,
    %swap3A_349 = vector.shape_cast %swap3A_348 : vector<1x16xi32> to vector<16xi32>
    %swap3A_350 = vector.shape_cast %select_n3A_344 : vector<16xi32> to vector<1x16xi32>
    tpu.vector_store %arg13[%swap3A_346, %swap3A_347], %swap3A_350 {strides = array<i32>} : memref<4x128xi32, #tpu.memory_space<vmem>>, vector<1x16xi32>,
    %add3A_351 = arith.constant 336 : i32
    %add3A_352 = vector.broadcast %add3A_351 : i32 to vector<16xi32>
    %add3A_353 = arith.addi %add3A_12, %add3A_352 : vector<16xi32>
    %ge3A_354 = arith.constant 100000 : i32
    %ge3A_355 = vector.broadcast %ge3A_354 : i32 to vector<16xi32>
    %ge3A_356 = arith.cmpi sge, %add3A_353, %ge3A_355 : vector<16xi32>
    %sub3A_357 = arith.constant 100000 : i32
    %sub3A_358 = vector.broadcast %sub3A_357 : i32 to vector<16xi32>
    %sub3A_359 = arith.subi %add3A_353, %sub3A_358 : vector<16xi32>
    %select_n3A_360 = arith.select %ge3A_356, %sub3A_359, %add3A_353 : vector<16xi1>, vector<16xi32>
    %swap3A_361 = arith.constant 2 : i32
    %swap3A_362 = arith.index_cast %swap3A_361 : i32 to index
    %swap3A_363 = arith.constant 80 : index
    %swap3A_364 = tpu.vector_load %arg13[%swap3A_362, %swap3A_363] {strides = array<i32>} : memref<4x128xi32, #tpu.memory_space<vmem>>, vector<1x16xi32>,
    %swap3A_365 = vector.shape_cast %swap3A_364 : vector<1x16xi32> to vector<16xi32>
    %swap3A_366 = vector.shape_cast %select_n3A_360 : vector<16xi32> to vector<1x16xi32>
    tpu.vector_store %arg13[%swap3A_362, %swap3A_363], %swap3A_366 {strides = array<i32>} : memref<4x128xi32, #tpu.memory_space<vmem>>, vector<1x16xi32>,
    %add3A_367 = arith.constant 352 : i32
    %add3A_368 = vector.broadcast %add3A_367 : i32 to vector<16xi32>
    %add3A_369 = arith.addi %add3A_12, %add3A_368 : vector<16xi32>
    %ge3A_370 = arith.constant 100000 : i32
    %ge3A_371 = vector.broadcast %ge3A_370 : i32 to vector<16xi32>
    %ge3A_372 = arith.cmpi sge, %add3A_369, %ge3A_371 : vector<16xi32>
    %sub3A_373 = arith.constant 100000 : i32
    %sub3A_374 = vector.broadcast %sub3A_373 : i32 to vector<16xi32>
    %sub3A_375 = arith.subi %add3A_369, %sub3A_374 : vector<16xi32>
    %select_n3A_376 = arith.select %ge3A_372, %sub3A_375, %add3A_369 : vector<16xi1>, vector<16xi32>
    %swap3A_377 = arith.constant 2 : i32
    %swap3A_378 = arith.index_cast %swap3A_377 : i32 to index
    %swap3A_379 = arith.constant 96 : index
    %swap3A_380 = tpu.vector_load %arg13[%swap3A_378, %swap3A_379] {strides = array<i32>} : memref<4x128xi32, #tpu.memory_space<vmem>>, vector<1x16xi32>,
    %swap3A_381 = vector.shape_cast %swap3A_380 : vector<1x16xi32> to vector<16xi32>
    %swap3A_382 = vector.shape_cast %select_n3A_376 : vector<16xi32> to vector<1x16xi32>
    tpu.vector_store %arg13[%swap3A_378, %swap3A_379], %swap3A_382 {strides = array<i32>} : memref<4x128xi32, #tpu.memory_space<vmem>>, vector<1x16xi32>,
    %add3A_383 = arith.constant 368 : i32
    %add3A_384 = vector.broadcast %add3A_383 : i32 to vector<16xi32>
    %add3A_385 = arith.addi %add3A_12, %add3A_384 : vector<16xi32>
    %ge3A_386 = arith.constant 100000 : i32
    %ge3A_387 = vector.broadcast %ge3A_386 : i32 to vector<16xi32>
    %ge3A_388 = arith.cmpi sge, %add3A_385, %ge3A_387 : vector<16xi32>
    %sub3A_389 = arith.constant 100000 : i32
    %sub3A_390 = vector.broadcast %sub3A_389 : i32 to vector<16xi32>
    %sub3A_391 = arith.subi %add3A_385, %sub3A_390 : vector<16xi32>
    %select_n3A_392 = arith.select %ge3A_388, %sub3A_391, %add3A_385 : vector<16xi1>, vector<16xi32>
    %swap3A_393 = arith.constant 2 : i32
    %swap3A_394 = arith.index_cast %swap3A_393 : i32 to index
    %swap3A_395 = arith.constant 112 : index
    %swap3A_396 = tpu.vector_load %arg13[%swap3A_394, %swap3A_395] {strides = array<i32>} : memref<4x128xi32, #tpu.memory_space<vmem>>, vector<1x16xi32>,
    %swap3A_397 = vector.shape_cast %swap3A_396 : vector<1x16xi32> to vector<16xi32>
    %swap3A_398 = vector.shape_cast %select_n3A_392 : vector<16xi32> to vector<1x16xi32>
    tpu.vector_store %arg13[%swap3A_394, %swap3A_395], %swap3A_398 {strides = array<i32>} : memref<4x128xi32, #tpu.memory_space<vmem>>, vector<1x16xi32>,
    %add3A_399 = arith.constant 384 : i32
    %add3A_400 = vector.broadcast %add3A_399 : i32 to vector<16xi32>
    %add3A_401 = arith.addi %add3A_12, %add3A_400 : vector<16xi32>
    %ge3A_402 = arith.constant 100000 : i32
    %ge3A_403 = vector.broadcast %ge3A_402 : i32 to vector<16xi32>
    %ge3A_404 = arith.cmpi sge, %add3A_401, %ge3A_403 : vector<16xi32>
    %sub3A_405 = arith.constant 100000 : i32
    %sub3A_406 = vector.broadcast %sub3A_405 : i32 to vector<16xi32>
    %sub3A_407 = arith.subi %add3A_401, %sub3A_406 : vector<16xi32>
    %select_n3A_408 = arith.select %ge3A_404, %sub3A_407, %add3A_401 : vector<16xi1>, vector<16xi32>
    %swap3A_409 = arith.constant 3 : i32
    %swap3A_410 = arith.index_cast %swap3A_409 : i32 to index
    %swap3A_411 = arith.constant 0 : index
    %swap3A_412 = tpu.vector_load %arg13[%swap3A_410, %swap3A_411] {strides = array<i32>} : memref<4x128xi32, #tpu.memory_space<vmem>>, vector<1x16xi32>,
    %swap3A_413 = vector.shape_cast %swap3A_412 : vector<1x16xi32> to vector<16xi32>
    %swap3A_414 = vector.shape_cast %select_n3A_408 : vector<16xi32> to vector<1x16xi32>
    tpu.vector_store %arg13[%swap3A_410, %swap3A_411], %swap3A_414 {strides = array<i32>} : memref<4x128xi32, #tpu.memory_space<vmem>>, vector<1x16xi32>,
    %add3A_415 = arith.constant 400 : i32
    %add3A_416 = vector.broadcast %add3A_415 : i32 to vector<16xi32>
    %add3A_417 = arith.addi %add3A_12, %add3A_416 : vector<16xi32>
    %ge3A_418 = arith.constant 100000 : i32
    %ge3A_419 = vector.broadcast %ge3A_418 : i32 to vector<16xi32>
    %ge3A_420 = arith.cmpi sge, %add3A_417, %ge3A_419 : vector<16xi32>
    %sub3A_421 = arith.constant 100000 : i32
    %sub3A_422 = vector.broadcast %sub3A_421 : i32 to vector<16xi32>
    %sub3A_423 = arith.subi %add3A_417, %sub3A_422 : vector<16xi32>
    %select_n3A_424 = arith.select %ge3A_420, %sub3A_423, %add3A_417 : vector<16xi1>, vector<16xi32>
    %swap3A_425 = arith.constant 3 : i32
    %swap3A_426 = arith.index_cast %swap3A_425 : i32 to index
    %swap3A_427 = arith.constant 16 : index
    %swap3A_428 = tpu.vector_load %arg13[%swap3A_426, %swap3A_427] {strides = array<i32>} : memref<4x128xi32, #tpu.memory_space<vmem>>, vector<1x16xi32>,
    %swap3A_429 = vector.shape_cast %swap3A_428 : vector<1x16xi32> to vector<16xi32>
    %swap3A_430 = vector.shape_cast %select_n3A_424 : vector<16xi32> to vector<1x16xi32>
    tpu.vector_store %arg13[%swap3A_426, %swap3A_427], %swap3A_430 {strides = array<i32>} : memref<4x128xi32, #tpu.memory_space<vmem>>, vector<1x16xi32>,
    %add3A_431 = arith.constant 416 : i32
    %add3A_432 = vector.broadcast %add3A_431 : i32 to vector<16xi32>
    %add3A_433 = arith.addi %add3A_12, %add3A_432 : vector<16xi32>
    %ge3A_434 = arith.constant 100000 : i32
    %ge3A_435 = vector.broadcast %ge3A_434 : i32 to vector<16xi32>
    %ge3A_436 = arith.cmpi sge, %add3A_433, %ge3A_435 : vector<16xi32>
    %sub3A_437 = arith.constant 100000 : i32
    %sub3A_438 = vector.broadcast %sub3A_437 : i32 to vector<16xi32>
    %sub3A_439 = arith.subi %add3A_433, %sub3A_438 : vector<16xi32>
    %select_n3A_440 = arith.select %ge3A_436, %sub3A_439, %add3A_433 : vector<16xi1>, vector<16xi32>
    %swap3A_441 = arith.constant 3 : i32
    %swap3A_442 = arith.index_cast %swap3A_441 : i32 to index
    %swap3A_443 = arith.constant 32 : index
    %swap3A_444 = tpu.vector_load %arg13[%swap3A_442, %swap3A_443] {strides = array<i32>} : memref<4x128xi32, #tpu.memory_space<vmem>>, vector<1x16xi32>,
    %swap3A_445 = vector.shape_cast %swap3A_444 : vector<1x16xi32> to vector<16xi32>
    %swap3A_446 = vector.shape_cast %select_n3A_440 : vector<16xi32> to vector<1x16xi32>
    tpu.vector_store %arg13[%swap3A_442, %swap3A_443], %swap3A_446 {strides = array<i32>} : memref<4x128xi32, #tpu.memory_space<vmem>>, vector<1x16xi32>,
    %add3A_447 = arith.constant 432 : i32
    %add3A_448 = vector.broadcast %add3A_447 : i32 to vector<16xi32>
    %add3A_449 = arith.addi %add3A_12, %add3A_448 : vector<16xi32>
    %ge3A_450 = arith.constant 100000 : i32
    %ge3A_451 = vector.broadcast %ge3A_450 : i32 to vector<16xi32>
    %ge3A_452 = arith.cmpi sge, %add3A_449, %ge3A_451 : vector<16xi32>
    %sub3A_453 = arith.constant 100000 : i32
    %sub3A_454 = vector.broadcast %sub3A_453 : i32 to vector<16xi32>
    %sub3A_455 = arith.subi %add3A_449, %sub3A_454 : vector<16xi32>
    %select_n3A_456 = arith.select %ge3A_452, %sub3A_455, %add3A_449 : vector<16xi1>, vector<16xi32>
    %swap3A_457 = arith.constant 3 : i32
    %swap3A_458 = arith.index_cast %swap3A_457 : i32 to index
    %swap3A_459 = arith.constant 48 : index
    %swap3A_460 = tpu.vector_load %arg13[%swap3A_458, %swap3A_459] {strides = array<i32>} : memref<4x128xi32, #tpu.memory_space<vmem>>, vector<1x16xi32>,
    %swap3A_461 = vector.shape_cast %swap3A_460 : vector<1x16xi32> to vector<16xi32>
    %swap3A_462 = vector.shape_cast %select_n3A_456 : vector<16xi32> to vector<1x16xi32>
    tpu.vector_store %arg13[%swap3A_458, %swap3A_459], %swap3A_462 {strides = array<i32>} : memref<4x128xi32, #tpu.memory_space<vmem>>, vector<1x16xi32>,
    %add3A_463 = arith.constant 448 : i32
    %add3A_464 = vector.broadcast %add3A_463 : i32 to vector<16xi32>
    %add3A_465 = arith.addi %add3A_12, %add3A_464 : vector<16xi32>
    %ge3A_466 = arith.constant 100000 : i32
    %ge3A_467 = vector.broadcast %ge3A_466 : i32 to vector<16xi32>
    %ge3A_468 = arith.cmpi sge, %add3A_465, %ge3A_467 : vector<16xi32>
    %sub3A_469 = arith.constant 100000 : i32
    %sub3A_470 = vector.broadcast %sub3A_469 : i32 to vector<16xi32>
    %sub3A_471 = arith.subi %add3A_465, %sub3A_470 : vector<16xi32>
    %select_n3A_472 = arith.select %ge3A_468, %sub3A_471, %add3A_465 : vector<16xi1>, vector<16xi32>
    %swap3A_473 = arith.constant 3 : i32
    %swap3A_474 = arith.index_cast %swap3A_473 : i32 to index
    %swap3A_475 = arith.constant 64 : index
    %swap3A_476 = tpu.vector_load %arg13[%swap3A_474, %swap3A_475] {strides = array<i32>} : memref<4x128xi32, #tpu.memory_space<vmem>>, vector<1x16xi32>,
    %swap3A_477 = vector.shape_cast %swap3A_476 : vector<1x16xi32> to vector<16xi32>
    %swap3A_478 = vector.shape_cast %select_n3A_472 : vector<16xi32> to vector<1x16xi32>
    tpu.vector_store %arg13[%swap3A_474, %swap3A_475], %swap3A_478 {strides = array<i32>} : memref<4x128xi32, #tpu.memory_space<vmem>>, vector<1x16xi32>,
    %add3A_479 = arith.constant 464 : i32
    %add3A_480 = vector.broadcast %add3A_479 : i32 to vector<16xi32>
    %add3A_481 = arith.addi %add3A_12, %add3A_480 : vector<16xi32>
    %ge3A_482 = arith.constant 100000 : i32
    %ge3A_483 = vector.broadcast %ge3A_482 : i32 to vector<16xi32>
    %ge3A_484 = arith.cmpi sge, %add3A_481, %ge3A_483 : vector<16xi32>
    %sub3A_485 = arith.constant 100000 : i32
    %sub3A_486 = vector.broadcast %sub3A_485 : i32 to vector<16xi32>
    %sub3A_487 = arith.subi %add3A_481, %sub3A_486 : vector<16xi32>
    %select_n3A_488 = arith.select %ge3A_484, %sub3A_487, %add3A_481 : vector<16xi1>, vector<16xi32>
    %swap3A_489 = arith.constant 3 : i32
    %swap3A_490 = arith.index_cast %swap3A_489 : i32 to index
    %swap3A_491 = arith.constant 80 : index
    %swap3A_492 = tpu.vector_load %arg13[%swap3A_490, %swap3A_491] {strides = array<i32>} : memref<4x128xi32, #tpu.memory_space<vmem>>, vector<1x16xi32>,
    %swap3A_493 = vector.shape_cast %swap3A_492 : vector<1x16xi32> to vector<16xi32>
    %swap3A_494 = vector.shape_cast %select_n3A_488 : vector<16xi32> to vector<1x16xi32>
    tpu.vector_store %arg13[%swap3A_490, %swap3A_491], %swap3A_494 {strides = array<i32>} : memref<4x128xi32, #tpu.memory_space<vmem>>, vector<1x16xi32>,
    %add3A_495 = arith.constant 480 : i32
    %add3A_496 = vector.broadcast %add3A_495 : i32 to vector<16xi32>
    %add3A_497 = arith.addi %add3A_12, %add3A_496 : vector<16xi32>
    %ge3A_498 = arith.constant 100000 : i32
    %ge3A_499 = vector.broadcast %ge3A_498 : i32 to vector<16xi32>
    %ge3A_500 = arith.cmpi sge, %add3A_497, %ge3A_499 : vector<16xi32>
    %sub3A_501 = arith.constant 100000 : i32
    %sub3A_502 = vector.broadcast %sub3A_501 : i32 to vector<16xi32>
    %sub3A_503 = arith.subi %add3A_497, %sub3A_502 : vector<16xi32>
    %select_n3A_504 = arith.select %ge3A_500, %sub3A_503, %add3A_497 : vector<16xi1>, vector<16xi32>
    %swap3A_505 = arith.constant 3 : i32
    %swap3A_506 = arith.index_cast %swap3A_505 : i32 to index
    %swap3A_507 = arith.constant 96 : index
    %swap3A_508 = tpu.vector_load %arg13[%swap3A_506, %swap3A_507] {strides = array<i32>} : memref<4x128xi32, #tpu.memory_space<vmem>>, vector<1x16xi32>,
    %swap3A_509 = vector.shape_cast %swap3A_508 : vector<1x16xi32> to vector<16xi32>
    %swap3A_510 = vector.shape_cast %select_n3A_504 : vector<16xi32> to vector<1x16xi32>
    tpu.vector_store %arg13[%swap3A_506, %swap3A_507], %swap3A_510 {strides = array<i32>} : memref<4x128xi32, #tpu.memory_space<vmem>>, vector<1x16xi32>,
    %add3A_511 = arith.constant 496 : i32
    %add3A_512 = vector.broadcast %add3A_511 : i32 to vector<16xi32>
    %add3A_513 = arith.addi %add3A_12, %add3A_512 : vector<16xi32>
    %ge3A_514 = arith.constant 100000 : i32
    %ge3A_515 = vector.broadcast %ge3A_514 : i32 to vector<16xi32>
    %ge3A_516 = arith.cmpi sge, %add3A_513, %ge3A_515 : vector<16xi32>
    %sub3A_517 = arith.constant 100000 : i32
    %sub3A_518 = vector.broadcast %sub3A_517 : i32 to vector<16xi32>
    %sub3A_519 = arith.subi %add3A_513, %sub3A_518 : vector<16xi32>
    %select_n3A_520 = arith.select %ge3A_516, %sub3A_519, %add3A_513 : vector<16xi1>, vector<16xi32>
    %swap3A_521 = arith.constant 3 : i32
    %swap3A_522 = arith.index_cast %swap3A_521 : i32 to index
    %swap3A_523 = arith.constant 112 : index
    %swap3A_524 = tpu.vector_load %arg13[%swap3A_522, %swap3A_523] {strides = array<i32>} : memref<4x128xi32, #tpu.memory_space<vmem>>, vector<1x16xi32>,
    %swap3A_525 = vector.shape_cast %swap3A_524 : vector<1x16xi32> to vector<16xi32>
    %swap3A_526 = vector.shape_cast %select_n3A_520 : vector<16xi32> to vector<1x16xi32>
    tpu.vector_store %arg13[%swap3A_522, %swap3A_523], %swap3A_526 {strides = array<i32>} : memref<4x128xi32, #tpu.memory_space<vmem>>, vector<1x16xi32>,
    %swap3A_527 = arith.constant 1 : i32
    %swap3A_528 = arith.index_cast %swap3A_527 : i32 to index
    %swap3A_529 = arith.constant 0 : index
    %swap3A_530 = tpu.vector_load %arg14[%swap3A_528, %swap3A_529] {strides = array<i32>} : memref<2x16xi32, #tpu.memory_space<vmem>>, vector<1x16xi32>,
    %swap3A_531 = vector.shape_cast %swap3A_530 : vector<1x16xi32> to vector<16xi32>
    %swap3A_532 = vector.shape_cast %select_n3A_520 : vector<16xi32> to vector<1x16xi32>
    tpu.vector_store %arg14[%swap3A_528, %swap3A_529], %swap3A_532 {strides = array<i32>} : memref<2x16xi32, #tpu.memory_space<vmem>>, vector<1x16xi32>,
    %slice3A = vector.extract_strided_slice %get3A_9 {offsets = [0], sizes = [1], strides = [1]} : vector<16xi32> to vector<1xi32>
    %squeeze3A = vector.extract %slice3A[0] : i32 from vector<1xi32>
    %add3A_533 = arith.addi %squeeze3A, %mul3A_2 : i32
    %ge3A_534 = arith.constant 100000 : i32
    %ge3A_535 = arith.cmpi sge, %add3A_533, %ge3A_534 : i32
    %sub3A_536 = arith.constant 100000 : i32
    %sub3A_537 = arith.subi %add3A_533, %sub3A_536 : i32
    %select_n3A_538 = arith.select %ge3A_535, %sub3A_537, %add3A_533 : i32
    %and3A = arith.constant 7 : i32
    %and3A_539 = arith.andi %select_n3A_538, %and3A : i32
    %sub3A_540 = arith.constant 8 : i32
    %sub3A_541 = arith.subi %sub3A_540, %and3A_539 : i32
    %and3A_542 = arith.constant 7 : i32
    %and3A_543 = arith.andi %sub3A_541, %and3A_542 : i32
    %le3A = arith.constant 99488 : i32
    %le3A_544 = arith.cmpi sle, %select_n3A_538, %le3A : i32
    %dma_wait3A = tpu.memref_slice %arg2[%mul3A_4] : memref<2097152xf32, #tpu.memory_space<hbm>> -> memref<65536xf32, #tpu.memory_space<hbm>>
    %dma_wait3A_545 = tpu.memref_slice %arg2[%mul3A_4] : memref<2097152xf32, #tpu.memory_space<hbm>> -> memref<65536xf32, #tpu.memory_space<hbm>>
    tpu.wait_dma2 semaphore(%arg15 : memref<!tpu.dma_semaphore, #tpu.memory_space<semaphore_mem>>) src(%dma_wait3A_545 : memref<65536xf32, #tpu.memory_space<hbm>>) dst(%arg10 : memref<65536xf32, #tpu.memory_space<vmem>>)
    %dma_wait3A_546 = tpu.memref_slice %arg3[%mul3A_2] : memref<16384xi32, #tpu.memory_space<hbm>> -> memref<512xi32, #tpu.memory_space<hbm>>
    %dma_wait3A_547 = tpu.memref_slice %arg3[%mul3A_2] : memref<16384xi32, #tpu.memory_space<hbm>> -> memref<512xi32, #tpu.memory_space<hbm>>
    tpu.wait_dma2 semaphore(%arg16 : memref<!tpu.dma_semaphore, #tpu.memory_space<semaphore_mem>>) src(%dma_wait3A_547 : memref<512xi32, #tpu.memory_space<hbm>>) dst(%arg11 : memref<512xi32, #tpu.memory_space<vmem>>)
    %add3A_548 = arith.constant 0 : i32
    %add3A_549 = arith.addi %and3A_543, %add3A_548 : i32
    %get3A_550 = arith.index_cast %add3A_549 : i32 to index
    %get3A_551 = tpu.vector_load %arg11[%get3A_550] {strides = array<i32>} : memref<512xi32, #tpu.memory_space<vmem>>, vector<16xi32>,
    %get3A_552 = vector.shape_cast %get3A_551 : vector<16xi32> to vector<16xi32>
    %swap3A_553 = arith.constant 0 : index
    %swap3A_554 = tpu.vector_load %arg12[%swap3A_553] {strides = array<i32>} : memref<496xi32, #tpu.memory_space<vmem>>, vector<16xi32>,
    %swap3A_555 = vector.shape_cast %swap3A_554 : vector<16xi32> to vector<16xi32>
    %swap3A_556 = vector.shape_cast %get3A_552 : vector<16xi32> to vector<16xi32>
    tpu.vector_store %arg12[%swap3A_553], %swap3A_556 {strides = array<i32>} : memref<496xi32, #tpu.memory_space<vmem>>, vector<16xi32>,
    %add3A_557 = arith.constant 16 : i32
    %add3A_558 = arith.addi %and3A_543, %add3A_557 : i32
    %get3A_559 = arith.index_cast %add3A_558 : i32 to index
    %get3A_560 = tpu.vector_load %arg11[%get3A_559] {strides = array<i32>} : memref<512xi32, #tpu.memory_space<vmem>>, vector<16xi32>,
    %get3A_561 = vector.shape_cast %get3A_560 : vector<16xi32> to vector<16xi32>
    %swap3A_562 = arith.constant 16 : index
    %swap3A_563 = tpu.vector_load %arg12[%swap3A_562] {strides = array<i32>} : memref<496xi32, #tpu.memory_space<vmem>>, vector<16xi32>,
    %swap3A_564 = vector.shape_cast %swap3A_563 : vector<16xi32> to vector<16xi32>
    %swap3A_565 = vector.shape_cast %get3A_561 : vector<16xi32> to vector<16xi32>
    tpu.vector_store %arg12[%swap3A_562], %swap3A_565 {strides = array<i32>} : memref<496xi32, #tpu.memory_space<vmem>>, vector<16xi32>,
    %add3A_566 = arith.constant 32 : i32
    %add3A_567 = arith.addi %and3A_543, %add3A_566 : i32
    %get3A_568 = arith.index_cast %add3A_567 : i32 to index
    %get3A_569 = tpu.vector_load %arg11[%get3A_568] {strides = array<i32>} : memref<512xi32, #tpu.memory_space<vmem>>, vector<16xi32>,
    %get3A_570 = vector.shape_cast %get3A_569 : vector<16xi32> to vector<16xi32>
    %swap3A_571 = arith.constant 32 : index
    %swap3A_572 = tpu.vector_load %arg12[%swap3A_571] {strides = array<i32>} : memref<496xi32, #tpu.memory_space<vmem>>, vector<16xi32>,
    %swap3A_573 = vector.shape_cast %swap3A_572 : vector<16xi32> to vector<16xi32>
    %swap3A_574 = vector.shape_cast %get3A_570 : vector<16xi32> to vector<16xi32>
    tpu.vector_store %arg12[%swap3A_571], %swap3A_574 {strides = array<i32>} : memref<496xi32, #tpu.memory_space<vmem>>, vector<16xi32>,
    %add3A_575 = arith.constant 48 : i32
    %add3A_576 = arith.addi %and3A_543, %add3A_575 : i32
    %get3A_577 = arith.index_cast %add3A_576 : i32 to index
    %get3A_578 = tpu.vector_load %arg11[%get3A_577] {strides = array<i32>} : memref<512xi32, #tpu.memory_space<vmem>>, vector<16xi32>,
    %get3A_579 = vector.shape_cast %get3A_578 : vector<16xi32> to vector<16xi32>
    %swap3A_580 = arith.constant 48 : index
    %swap3A_581 = tpu.vector_load %arg12[%swap3A_580] {strides = array<i32>} : memref<496xi32, #tpu.memory_space<vmem>>, vector<16xi32>,
    %swap3A_582 = vector.shape_cast %swap3A_581 : vector<16xi32> to vector<16xi32>
    %swap3A_583 = vector.shape_cast %get3A_579 : vector<16xi32> to vector<16xi32>
    tpu.vector_store %arg12[%swap3A_580], %swap3A_583 {strides = array<i32>} : memref<496xi32, #tpu.memory_space<vmem>>, vector<16xi32>,
    %add3A_584 = arith.constant 64 : i32
    %add3A_585 = arith.addi %and3A_543, %add3A_584 : i32
    %get3A_586 = arith.index_cast %add3A_585 : i32 to index
    %get3A_587 = tpu.vector_load %arg11[%get3A_586] {strides = array<i32>} : memref<512xi32, #tpu.memory_space<vmem>>, vector<16xi32>,
    %get3A_588 = vector.shape_cast %get3A_587 : vector<16xi32> to vector<16xi32>
    %swap3A_589 = arith.constant 64 : index
    %swap3A_590 = tpu.vector_load %arg12[%swap3A_589] {strides = array<i32>} : memref<496xi32, #tpu.memory_space<vmem>>, vector<16xi32>,
    %swap3A_591 = vector.shape_cast %swap3A_590 : vector<16xi32> to vector<16xi32>
    %swap3A_592 = vector.shape_cast %get3A_588 : vector<16xi32> to vector<16xi32>
    tpu.vector_store %arg12[%swap3A_589], %swap3A_592 {strides = array<i32>} : memref<496xi32, #tpu.memory_space<vmem>>, vector<16xi32>,
    %add3A_593 = arith.constant 80 : i32
    %add3A_594 = arith.addi %and3A_543, %add3A_593 : i32
    %get3A_595 = arith.index_cast %add3A_594 : i32 to index
    %get3A_596 = tpu.vector_load %arg11[%get3A_595] {strides = array<i32>} : memref<512xi32, #tpu.memory_space<vmem>>, vector<16xi32>,
    %get3A_597 = vector.shape_cast %get3A_596 : vector<16xi32> to vector<16xi32>
    %swap3A_598 = arith.constant 80 : index
    %swap3A_599 = tpu.vector_load %arg12[%swap3A_598] {strides = array<i32>} : memref<496xi32, #tpu.memory_space<vmem>>, vector<16xi32>,
    %swap3A_600 = vector.shape_cast %swap3A_599 : vector<16xi32> to vector<16xi32>
    %swap3A_601 = vector.shape_cast %get3A_597 : vector<16xi32> to vector<16xi32>
    tpu.vector_store %arg12[%swap3A_598], %swap3A_601 {strides = array<i32>} : memref<496xi32, #tpu.memory_space<vmem>>, vector<16xi32>,
    %add3A_602 = arith.constant 96 : i32
    %add3A_603 = arith.addi %and3A_543, %add3A_602 : i32
    %get3A_604 = arith.index_cast %add3A_603 : i32 to index
    %get3A_605 = tpu.vector_load %arg11[%get3A_604] {strides = array<i32>} : memref<512xi32, #tpu.memory_space<vmem>>, vector<16xi32>,
    %get3A_606 = vector.shape_cast %get3A_605 : vector<16xi32> to vector<16xi32>
    %swap3A_607 = arith.constant 96 : index
    %swap3A_608 = tpu.vector_load %arg12[%swap3A_607] {strides = array<i32>} : memref<496xi32, #tpu.memory_space<vmem>>, vector<16xi32>,
    %swap3A_609 = vector.shape_cast %swap3A_608 : vector<16xi32> to vector<16xi32>
    %swap3A_610 = vector.shape_cast %get3A_606 : vector<16xi32> to vector<16xi32>
    tpu.vector_store %arg12[%swap3A_607], %swap3A_610 {strides = array<i32>} : memref<496xi32, #tpu.memory_space<vmem>>, vector<16xi32>,
    %add3A_611 = arith.constant 112 : i32
    %add3A_612 = arith.addi %and3A_543, %add3A_611 : i32
    %get3A_613 = arith.index_cast %add3A_612 : i32 to index
    %get3A_614 = tpu.vector_load %arg11[%get3A_613] {strides = array<i32>} : memref<512xi32, #tpu.memory_space<vmem>>, vector<16xi32>,
    %get3A_615 = vector.shape_cast %get3A_614 : vector<16xi32> to vector<16xi32>
    %swap3A_616 = arith.constant 112 : index
    %swap3A_617 = tpu.vector_load %arg12[%swap3A_616] {strides = array<i32>} : memref<496xi32, #tpu.memory_space<vmem>>, vector<16xi32>,
    %swap3A_618 = vector.shape_cast %swap3A_617 : vector<16xi32> to vector<16xi32>
    %swap3A_619 = vector.shape_cast %get3A_615 : vector<16xi32> to vector<16xi32>
    tpu.vector_store %arg12[%swap3A_616], %swap3A_619 {strides = array<i32>} : memref<496xi32, #tpu.memory_space<vmem>>, vector<16xi32>,
    %add3A_620 = arith.constant 128 : i32
    %add3A_621 = arith.addi %and3A_543, %add3A_620 : i32
    %get3A_622 = arith.index_cast %add3A_621 : i32 to index
    %get3A_623 = tpu.vector_load %arg11[%get3A_622] {strides = array<i32>} : memref<512xi32, #tpu.memory_space<vmem>>, vector<16xi32>,
    %get3A_624 = vector.shape_cast %get3A_623 : vector<16xi32> to vector<16xi32>
    %swap3A_625 = arith.constant 128 : index
    %swap3A_626 = tpu.vector_load %arg12[%swap3A_625] {strides = array<i32>} : memref<496xi32, #tpu.memory_space<vmem>>, vector<16xi32>,
    %swap3A_627 = vector.shape_cast %swap3A_626 : vector<16xi32> to vector<16xi32>
    %swap3A_628 = vector.shape_cast %get3A_624 : vector<16xi32> to vector<16xi32>
    tpu.vector_store %arg12[%swap3A_625], %swap3A_628 {strides = array<i32>} : memref<496xi32, #tpu.memory_space<vmem>>, vector<16xi32>,
    %add3A_629 = arith.constant 144 : i32
    %add3A_630 = arith.addi %and3A_543, %add3A_629 : i32
    %get3A_631 = arith.index_cast %add3A_630 : i32 to index
    %get3A_632 = tpu.vector_load %arg11[%get3A_631] {strides = array<i32>} : memref<512xi32, #tpu.memory_space<vmem>>, vector<16xi32>,
    %get3A_633 = vector.shape_cast %get3A_632 : vector<16xi32> to vector<16xi32>
    %swap3A_634 = arith.constant 144 : index
    %swap3A_635 = tpu.vector_load %arg12[%swap3A_634] {strides = array<i32>} : memref<496xi32, #tpu.memory_space<vmem>>, vector<16xi32>,
    %swap3A_636 = vector.shape_cast %swap3A_635 : vector<16xi32> to vector<16xi32>
    %swap3A_637 = vector.shape_cast %get3A_633 : vector<16xi32> to vector<16xi32>
    tpu.vector_store %arg12[%swap3A_634], %swap3A_637 {strides = array<i32>} : memref<496xi32, #tpu.memory_space<vmem>>, vector<16xi32>,
    %add3A_638 = arith.constant 160 : i32
    %add3A_639 = arith.addi %and3A_543, %add3A_638 : i32
    %get3A_640 = arith.index_cast %add3A_639 : i32 to index
    %get3A_641 = tpu.vector_load %arg11[%get3A_640] {strides = array<i32>} : memref<512xi32, #tpu.memory_space<vmem>>, vector<16xi32>,
    %get3A_642 = vector.shape_cast %get3A_641 : vector<16xi32> to vector<16xi32>
    %swap3A_643 = arith.constant 160 : index
    %swap3A_644 = tpu.vector_load %arg12[%swap3A_643] {strides = array<i32>} : memref<496xi32, #tpu.memory_space<vmem>>, vector<16xi32>,
    %swap3A_645 = vector.shape_cast %swap3A_644 : vector<16xi32> to vector<16xi32>
    %swap3A_646 = vector.shape_cast %get3A_642 : vector<16xi32> to vector<16xi32>
    tpu.vector_store %arg12[%swap3A_643], %swap3A_646 {strides = array<i32>} : memref<496xi32, #tpu.memory_space<vmem>>, vector<16xi32>,
    %add3A_647 = arith.constant 176 : i32
    %add3A_648 = arith.addi %and3A_543, %add3A_647 : i32
    %get3A_649 = arith.index_cast %add3A_648 : i32 to index
    %get3A_650 = tpu.vector_load %arg11[%get3A_649] {strides = array<i32>} : memref<512xi32, #tpu.memory_space<vmem>>, vector<16xi32>,
    %get3A_651 = vector.shape_cast %get3A_650 : vector<16xi32> to vector<16xi32>
    %swap3A_652 = arith.constant 176 : index
    %swap3A_653 = tpu.vector_load %arg12[%swap3A_652] {strides = array<i32>} : memref<496xi32, #tpu.memory_space<vmem>>, vector<16xi32>,
    %swap3A_654 = vector.shape_cast %swap3A_653 : vector<16xi32> to vector<16xi32>
    %swap3A_655 = vector.shape_cast %get3A_651 : vector<16xi32> to vector<16xi32>
    tpu.vector_store %arg12[%swap3A_652], %swap3A_655 {strides = array<i32>} : memref<496xi32, #tpu.memory_space<vmem>>, vector<16xi32>,
    %add3A_656 = arith.constant 192 : i32
    %add3A_657 = arith.addi %and3A_543, %add3A_656 : i32
    %get3A_658 = arith.index_cast %add3A_657 : i32 to index
    %get3A_659 = tpu.vector_load %arg11[%get3A_658] {strides = array<i32>} : memref<512xi32, #tpu.memory_space<vmem>>, vector<16xi32>,
    %get3A_660 = vector.shape_cast %get3A_659 : vector<16xi32> to vector<16xi32>
    %swap3A_661 = arith.constant 192 : index
    %swap3A_662 = tpu.vector_load %arg12[%swap3A_661] {strides = array<i32>} : memref<496xi32, #tpu.memory_space<vmem>>, vector<16xi32>,
    %swap3A_663 = vector.shape_cast %swap3A_662 : vector<16xi32> to vector<16xi32>
    %swap3A_664 = vector.shape_cast %get3A_660 : vector<16xi32> to vector<16xi32>
    tpu.vector_store %arg12[%swap3A_661], %swap3A_664 {strides = array<i32>} : memref<496xi32, #tpu.memory_space<vmem>>, vector<16xi32>,
    %add3A_665 = arith.constant 208 : i32
    %add3A_666 = arith.addi %and3A_543, %add3A_665 : i32
    %get3A_667 = arith.index_cast %add3A_666 : i32 to index
    %get3A_668 = tpu.vector_load %arg11[%get3A_667] {strides = array<i32>} : memref<512xi32, #tpu.memory_space<vmem>>, vector<16xi32>,
    %get3A_669 = vector.shape_cast %get3A_668 : vector<16xi32> to vector<16xi32>
    %swap3A_670 = arith.constant 208 : index
    %swap3A_671 = tpu.vector_load %arg12[%swap3A_670] {strides = array<i32>} : memref<496xi32, #tpu.memory_space<vmem>>, vector<16xi32>,
    %swap3A_672 = vector.shape_cast %swap3A_671 : vector<16xi32> to vector<16xi32>
    %swap3A_673 = vector.shape_cast %get3A_669 : vector<16xi32> to vector<16xi32>
    tpu.vector_store %arg12[%swap3A_670], %swap3A_673 {strides = array<i32>} : memref<496xi32, #tpu.memory_space<vmem>>, vector<16xi32>,
    %add3A_674 = arith.constant 224 : i32
    %add3A_675 = arith.addi %and3A_543, %add3A_674 : i32
    %get3A_676 = arith.index_cast %add3A_675 : i32 to index
    %get3A_677 = tpu.vector_load %arg11[%get3A_676] {strides = array<i32>} : memref<512xi32, #tpu.memory_space<vmem>>, vector<16xi32>,
    %get3A_678 = vector.shape_cast %get3A_677 : vector<16xi32> to vector<16xi32>
    %swap3A_679 = arith.constant 224 : index
    %swap3A_680 = tpu.vector_load %arg12[%swap3A_679] {strides = array<i32>} : memref<496xi32, #tpu.memory_space<vmem>>, vector<16xi32>,
    %swap3A_681 = vector.shape_cast %swap3A_680 : vector<16xi32> to vector<16xi32>
    %swap3A_682 = vector.shape_cast %get3A_678 : vector<16xi32> to vector<16xi32>
    tpu.vector_store %arg12[%swap3A_679], %swap3A_682 {strides = array<i32>} : memref<496xi32, #tpu.memory_space<vmem>>, vector<16xi32>,
    %add3A_683 = arith.constant 240 : i32
    %add3A_684 = arith.addi %and3A_543, %add3A_683 : i32
    %get3A_685 = arith.index_cast %add3A_684 : i32 to index
    %get3A_686 = tpu.vector_load %arg11[%get3A_685] {strides = array<i32>} : memref<512xi32, #tpu.memory_space<vmem>>, vector<16xi32>,
    %get3A_687 = vector.shape_cast %get3A_686 : vector<16xi32> to vector<16xi32>
    %swap3A_688 = arith.constant 240 : index
    %swap3A_689 = tpu.vector_load %arg12[%swap3A_688] {strides = array<i32>} : memref<496xi32, #tpu.memory_space<vmem>>, vector<16xi32>,
    %swap3A_690 = vector.shape_cast %swap3A_689 : vector<16xi32> to vector<16xi32>
    %swap3A_691 = vector.shape_cast %get3A_687 : vector<16xi32> to vector<16xi32>
    tpu.vector_store %arg12[%swap3A_688], %swap3A_691 {strides = array<i32>} : memref<496xi32, #tpu.memory_space<vmem>>, vector<16xi32>,
    %add3A_692 = arith.constant 256 : i32
    %add3A_693 = arith.addi %and3A_543, %add3A_692 : i32
    %get3A_694 = arith.index_cast %add3A_693 : i32 to index
    %get3A_695 = tpu.vector_load %arg11[%get3A_694] {strides = array<i32>} : memref<512xi32, #tpu.memory_space<vmem>>, vector<16xi32>,
    %get3A_696 = vector.shape_cast %get3A_695 : vector<16xi32> to vector<16xi32>
    %swap3A_697 = arith.constant 256 : index
    %swap3A_698 = tpu.vector_load %arg12[%swap3A_697] {strides = array<i32>} : memref<496xi32, #tpu.memory_space<vmem>>, vector<16xi32>,
    %swap3A_699 = vector.shape_cast %swap3A_698 : vector<16xi32> to vector<16xi32>
    %swap3A_700 = vector.shape_cast %get3A_696 : vector<16xi32> to vector<16xi32>
    tpu.vector_store %arg12[%swap3A_697], %swap3A_700 {strides = array<i32>} : memref<496xi32, #tpu.memory_space<vmem>>, vector<16xi32>,
    %add3A_701 = arith.constant 272 : i32
    %add3A_702 = arith.addi %and3A_543, %add3A_701 : i32
    %get3A_703 = arith.index_cast %add3A_702 : i32 to index
    %get3A_704 = tpu.vector_load %arg11[%get3A_703] {strides = array<i32>} : memref<512xi32, #tpu.memory_space<vmem>>, vector<16xi32>,
    %get3A_705 = vector.shape_cast %get3A_704 : vector<16xi32> to vector<16xi32>
    %swap3A_706 = arith.constant 272 : index
    %swap3A_707 = tpu.vector_load %arg12[%swap3A_706] {strides = array<i32>} : memref<496xi32, #tpu.memory_space<vmem>>, vector<16xi32>,
    %swap3A_708 = vector.shape_cast %swap3A_707 : vector<16xi32> to vector<16xi32>
    %swap3A_709 = vector.shape_cast %get3A_705 : vector<16xi32> to vector<16xi32>
    tpu.vector_store %arg12[%swap3A_706], %swap3A_709 {strides = array<i32>} : memref<496xi32, #tpu.memory_space<vmem>>, vector<16xi32>,
    %add3A_710 = arith.constant 288 : i32
    %add3A_711 = arith.addi %and3A_543, %add3A_710 : i32
    %get3A_712 = arith.index_cast %add3A_711 : i32 to index
    %get3A_713 = tpu.vector_load %arg11[%get3A_712] {strides = array<i32>} : memref<512xi32, #tpu.memory_space<vmem>>, vector<16xi32>,
    %get3A_714 = vector.shape_cast %get3A_713 : vector<16xi32> to vector<16xi32>
    %swap3A_715 = arith.constant 288 : index
    %swap3A_716 = tpu.vector_load %arg12[%swap3A_715] {strides = array<i32>} : memref<496xi32, #tpu.memory_space<vmem>>, vector<16xi32>,
    %swap3A_717 = vector.shape_cast %swap3A_716 : vector<16xi32> to vector<16xi32>
    %swap3A_718 = vector.shape_cast %get3A_714 : vector<16xi32> to vector<16xi32>
    tpu.vector_store %arg12[%swap3A_715], %swap3A_718 {strides = array<i32>} : memref<496xi32, #tpu.memory_space<vmem>>, vector<16xi32>,
    %add3A_719 = arith.constant 304 : i32
    %add3A_720 = arith.addi %and3A_543, %add3A_719 : i32
    %get3A_721 = arith.index_cast %add3A_720 : i32 to index
    %get3A_722 = tpu.vector_load %arg11[%get3A_721] {strides = array<i32>} : memref<512xi32, #tpu.memory_space<vmem>>, vector<16xi32>,
    %get3A_723 = vector.shape_cast %get3A_722 : vector<16xi32> to vector<16xi32>
    %swap3A_724 = arith.constant 304 : index
    %swap3A_725 = tpu.vector_load %arg12[%swap3A_724] {strides = array<i32>} : memref<496xi32, #tpu.memory_space<vmem>>, vector<16xi32>,
    %swap3A_726 = vector.shape_cast %swap3A_725 : vector<16xi32> to vector<16xi32>
    %swap3A_727 = vector.shape_cast %get3A_723 : vector<16xi32> to vector<16xi32>
    tpu.vector_store %arg12[%swap3A_724], %swap3A_727 {strides = array<i32>} : memref<496xi32, #tpu.memory_space<vmem>>, vector<16xi32>,
    %add3A_728 = arith.constant 320 : i32
    %add3A_729 = arith.addi %and3A_543, %add3A_728 : i32
    %get3A_730 = arith.index_cast %add3A_729 : i32 to index
    %get3A_731 = tpu.vector_load %arg11[%get3A_730] {strides = array<i32>} : memref<512xi32, #tpu.memory_space<vmem>>, vector<16xi32>,
    %get3A_732 = vector.shape_cast %get3A_731 : vector<16xi32> to vector<16xi32>
    %swap3A_733 = arith.constant 320 : index
    %swap3A_734 = tpu.vector_load %arg12[%swap3A_733] {strides = array<i32>} : memref<496xi32, #tpu.memory_space<vmem>>, vector<16xi32>,
    %swap3A_735 = vector.shape_cast %swap3A_734 : vector<16xi32> to vector<16xi32>
    %swap3A_736 = vector.shape_cast %get3A_732 : vector<16xi32> to vector<16xi32>
    tpu.vector_store %arg12[%swap3A_733], %swap3A_736 {strides = array<i32>} : memref<496xi32, #tpu.memory_space<vmem>>, vector<16xi32>,
    %add3A_737 = arith.constant 336 : i32
    %add3A_738 = arith.addi %and3A_543, %add3A_737 : i32
    %get3A_739 = arith.index_cast %add3A_738 : i32 to index
    %get3A_740 = tpu.vector_load %arg11[%get3A_739] {strides = array<i32>} : memref<512xi32, #tpu.memory_space<vmem>>, vector<16xi32>,
    %get3A_741 = vector.shape_cast %get3A_740 : vector<16xi32> to vector<16xi32>
    %swap3A_742 = arith.constant 336 : index
    %swap3A_743 = tpu.vector_load %arg12[%swap3A_742] {strides = array<i32>} : memref<496xi32, #tpu.memory_space<vmem>>, vector<16xi32>,
    %swap3A_744 = vector.shape_cast %swap3A_743 : vector<16xi32> to vector<16xi32>
    %swap3A_745 = vector.shape_cast %get3A_741 : vector<16xi32> to vector<16xi32>
    tpu.vector_store %arg12[%swap3A_742], %swap3A_745 {strides = array<i32>} : memref<496xi32, #tpu.memory_space<vmem>>, vector<16xi32>,
    %add3A_746 = arith.constant 352 : i32
    %add3A_747 = arith.addi %and3A_543, %add3A_746 : i32
    %get3A_748 = arith.index_cast %add3A_747 : i32 to index
    %get3A_749 = tpu.vector_load %arg11[%get3A_748] {strides = array<i32>} : memref<512xi32, #tpu.memory_space<vmem>>, vector<16xi32>,
    %get3A_750 = vector.shape_cast %get3A_749 : vector<16xi32> to vector<16xi32>
    %swap3A_751 = arith.constant 352 : index
    %swap3A_752 = tpu.vector_load %arg12[%swap3A_751] {strides = array<i32>} : memref<496xi32, #tpu.memory_space<vmem>>, vector<16xi32>,
    %swap3A_753 = vector.shape_cast %swap3A_752 : vector<16xi32> to vector<16xi32>
    %swap3A_754 = vector.shape_cast %get3A_750 : vector<16xi32> to vector<16xi32>
    tpu.vector_store %arg12[%swap3A_751], %swap3A_754 {strides = array<i32>} : memref<496xi32, #tpu.memory_space<vmem>>, vector<16xi32>,
    %add3A_755 = arith.constant 368 : i32
    %add3A_756 = arith.addi %and3A_543, %add3A_755 : i32
    %get3A_757 = arith.index_cast %add3A_756 : i32 to index
    %get3A_758 = tpu.vector_load %arg11[%get3A_757] {strides = array<i32>} : memref<512xi32, #tpu.memory_space<vmem>>, vector<16xi32>,
    %get3A_759 = vector.shape_cast %get3A_758 : vector<16xi32> to vector<16xi32>
    %swap3A_760 = arith.constant 368 : index
    %swap3A_761 = tpu.vector_load %arg12[%swap3A_760] {strides = array<i32>} : memref<496xi32, #tpu.memory_space<vmem>>, vector<16xi32>,
    %swap3A_762 = vector.shape_cast %swap3A_761 : vector<16xi32> to vector<16xi32>
    %swap3A_763 = vector.shape_cast %get3A_759 : vector<16xi32> to vector<16xi32>
    tpu.vector_store %arg12[%swap3A_760], %swap3A_763 {strides = array<i32>} : memref<496xi32, #tpu.memory_space<vmem>>, vector<16xi32>,
    %add3A_764 = arith.constant 384 : i32
    %add3A_765 = arith.addi %and3A_543, %add3A_764 : i32
    %get3A_766 = arith.index_cast %add3A_765 : i32 to index
    %get3A_767 = tpu.vector_load %arg11[%get3A_766] {strides = array<i32>} : memref<512xi32, #tpu.memory_space<vmem>>, vector<16xi32>,
    %get3A_768 = vector.shape_cast %get3A_767 : vector<16xi32> to vector<16xi32>
    %swap3A_769 = arith.constant 384 : index
    %swap3A_770 = tpu.vector_load %arg12[%swap3A_769] {strides = array<i32>} : memref<496xi32, #tpu.memory_space<vmem>>, vector<16xi32>,
    %swap3A_771 = vector.shape_cast %swap3A_770 : vector<16xi32> to vector<16xi32>
    %swap3A_772 = vector.shape_cast %get3A_768 : vector<16xi32> to vector<16xi32>
    tpu.vector_store %arg12[%swap3A_769], %swap3A_772 {strides = array<i32>} : memref<496xi32, #tpu.memory_space<vmem>>, vector<16xi32>,
    %add3A_773 = arith.constant 400 : i32
    %add3A_774 = arith.addi %and3A_543, %add3A_773 : i32
    %get3A_775 = arith.index_cast %add3A_774 : i32 to index
    %get3A_776 = tpu.vector_load %arg11[%get3A_775] {strides = array<i32>} : memref<512xi32, #tpu.memory_space<vmem>>, vector<16xi32>,
    %get3A_777 = vector.shape_cast %get3A_776 : vector<16xi32> to vector<16xi32>
    %swap3A_778 = arith.constant 400 : index
    %swap3A_779 = tpu.vector_load %arg12[%swap3A_778] {strides = array<i32>} : memref<496xi32, #tpu.memory_space<vmem>>, vector<16xi32>,
    %swap3A_780 = vector.shape_cast %swap3A_779 : vector<16xi32> to vector<16xi32>
    %swap3A_781 = vector.shape_cast %get3A_777 : vector<16xi32> to vector<16xi32>
    tpu.vector_store %arg12[%swap3A_778], %swap3A_781 {strides = array<i32>} : memref<496xi32, #tpu.memory_space<vmem>>, vector<16xi32>,
    %add3A_782 = arith.constant 416 : i32
    %add3A_783 = arith.addi %and3A_543, %add3A_782 : i32
    %get3A_784 = arith.index_cast %add3A_783 : i32 to index
    %get3A_785 = tpu.vector_load %arg11[%get3A_784] {strides = array<i32>} : memref<512xi32, #tpu.memory_space<vmem>>, vector<16xi32>,
    %get3A_786 = vector.shape_cast %get3A_785 : vector<16xi32> to vector<16xi32>
    %swap3A_787 = arith.constant 416 : index
    %swap3A_788 = tpu.vector_load %arg12[%swap3A_787] {strides = array<i32>} : memref<496xi32, #tpu.memory_space<vmem>>, vector<16xi32>,
    %swap3A_789 = vector.shape_cast %swap3A_788 : vector<16xi32> to vector<16xi32>
    %swap3A_790 = vector.shape_cast %get3A_786 : vector<16xi32> to vector<16xi32>
    tpu.vector_store %arg12[%swap3A_787], %swap3A_790 {strides = array<i32>} : memref<496xi32, #tpu.memory_space<vmem>>, vector<16xi32>,
    %add3A_791 = arith.constant 432 : i32
    %add3A_792 = arith.addi %and3A_543, %add3A_791 : i32
    %get3A_793 = arith.index_cast %add3A_792 : i32 to index
    %get3A_794 = tpu.vector_load %arg11[%get3A_793] {strides = array<i32>} : memref<512xi32, #tpu.memory_space<vmem>>, vector<16xi32>,
    %get3A_795 = vector.shape_cast %get3A_794 : vector<16xi32> to vector<16xi32>
    %swap3A_796 = arith.constant 432 : index
    %swap3A_797 = tpu.vector_load %arg12[%swap3A_796] {strides = array<i32>} : memref<496xi32, #tpu.memory_space<vmem>>, vector<16xi32>,
    %swap3A_798 = vector.shape_cast %swap3A_797 : vector<16xi32> to vector<16xi32>
    %swap3A_799 = vector.shape_cast %get3A_795 : vector<16xi32> to vector<16xi32>
    tpu.vector_store %arg12[%swap3A_796], %swap3A_799 {strides = array<i32>} : memref<496xi32, #tpu.memory_space<vmem>>, vector<16xi32>,
    %add3A_800 = arith.constant 448 : i32
    %add3A_801 = arith.addi %and3A_543, %add3A_800 : i32
    %get3A_802 = arith.index_cast %add3A_801 : i32 to index
    %get3A_803 = tpu.vector_load %arg11[%get3A_802] {strides = array<i32>} : memref<512xi32, #tpu.memory_space<vmem>>, vector<16xi32>,
    %get3A_804 = vector.shape_cast %get3A_803 : vector<16xi32> to vector<16xi32>
    %swap3A_805 = arith.constant 448 : index
    %swap3A_806 = tpu.vector_load %arg12[%swap3A_805] {strides = array<i32>} : memref<496xi32, #tpu.memory_space<vmem>>, vector<16xi32>,
    %swap3A_807 = vector.shape_cast %swap3A_806 : vector<16xi32> to vector<16xi32>
    %swap3A_808 = vector.shape_cast %get3A_804 : vector<16xi32> to vector<16xi32>
    tpu.vector_store %arg12[%swap3A_805], %swap3A_808 {strides = array<i32>} : memref<496xi32, #tpu.memory_space<vmem>>, vector<16xi32>,
    %add3A_809 = arith.constant 464 : i32
    %add3A_810 = arith.addi %and3A_543, %add3A_809 : i32
    %get3A_811 = arith.index_cast %add3A_810 : i32 to index
    %get3A_812 = tpu.vector_load %arg11[%get3A_811] {strides = array<i32>} : memref<512xi32, #tpu.memory_space<vmem>>, vector<16xi32>,
    %get3A_813 = vector.shape_cast %get3A_812 : vector<16xi32> to vector<16xi32>
    %swap3A_814 = arith.constant 464 : index
    %swap3A_815 = tpu.vector_load %arg12[%swap3A_814] {strides = array<i32>} : memref<496xi32, #tpu.memory_space<vmem>>, vector<16xi32>,
    %swap3A_816 = vector.shape_cast %swap3A_815 : vector<16xi32> to vector<16xi32>
    %swap3A_817 = vector.shape_cast %get3A_813 : vector<16xi32> to vector<16xi32>
    tpu.vector_store %arg12[%swap3A_814], %swap3A_817 {strides = array<i32>} : memref<496xi32, #tpu.memory_space<vmem>>, vector<16xi32>,
    %add3A_818 = arith.constant 480 : i32
    %add3A_819 = arith.addi %and3A_543, %add3A_818 : i32
    %get3A_820 = arith.index_cast %add3A_819 : i32 to index
    %get3A_821 = tpu.vector_load %arg11[%get3A_820] {strides = array<i32>} : memref<512xi32, #tpu.memory_space<vmem>>, vector<16xi32>,
    %get3A_822 = vector.shape_cast %get3A_821 : vector<16xi32> to vector<16xi32>
    %swap3A_823 = arith.constant 480 : index
    %swap3A_824 = tpu.vector_load %arg12[%swap3A_823] {strides = array<i32>} : memref<496xi32, #tpu.memory_space<vmem>>, vector<16xi32>,
    %swap3A_825 = vector.shape_cast %swap3A_824 : vector<16xi32> to vector<16xi32>
    %swap3A_826 = vector.shape_cast %get3A_822 : vector<16xi32> to vector<16xi32>
    tpu.vector_store %arg12[%swap3A_823], %swap3A_826 {strides = array<i32>} : memref<496xi32, #tpu.memory_space<vmem>>, vector<16xi32>,
    %convert_element_type3A = arith.extui %le3A_544 : i1 to i32
    %cond3A = arith.constant 0 : i32
    %cond3A_827 = arith.cmpi ne, %convert_element_type3A, %cond3A : i32
    scf.if %cond3A_827 {
      %mul3A_864 = arith.constant 128 : i32
      %mul3A_865 = arith.muli %select_n3A_538, %mul3A_864 : i32
      %multiple_of3A = tpu.assume_multiple %mul3A_865, 8 : i32
      %dma_start3A_866 = tpu.memref_slice %arg5[%multiple_of3A] : memref<12800000xf32, #tpu.memory_space<hbm>> -> memref<65536xf32, #tpu.memory_space<hbm>>
      %dma_start3A_867 = tpu.memref_slice %arg5[%multiple_of3A] : memref<12800000xf32, #tpu.memory_space<hbm>> -> memref<65536xf32, #tpu.memory_space<hbm>>
      tpu.enqueue_dma source(%arg10 : memref<65536xf32, #tpu.memory_space<vmem>>) target(%dma_start3A_867 : memref<65536xf32, #tpu.memory_space<hbm>>) target_semaphore(%arg17 : memref<!tpu.dma_semaphore, #tpu.memory_space<semaphore_mem>>)
      %add3A_868 = arith.addi %select_n3A_538, %and3A_543 : i32
      %multiple_of3A_869 = tpu.assume_multiple %add3A_868, 8 : i32
      %dma_start3A_870 = tpu.memref_slice %arg6[%multiple_of3A_869] : memref<100000xi32, #tpu.memory_space<hbm>> -> memref<496xi32, #tpu.memory_space<hbm>>
      %dma_start3A_871 = tpu.memref_slice %arg6[%multiple_of3A_869] : memref<100000xi32, #tpu.memory_space<hbm>> -> memref<496xi32, #tpu.memory_space<hbm>>
      tpu.enqueue_dma source(%arg12 : memref<496xi32, #tpu.memory_space<vmem>>) target(%dma_start3A_871 : memref<496xi32, #tpu.memory_space<hbm>>) target_semaphore(%arg16 : memref<!tpu.dma_semaphore, #tpu.memory_space<semaphore_mem>>)
      %dma_wait3A_872 = tpu.memref_slice %arg5[%multiple_of3A] : memref<12800000xf32, #tpu.memory_space<hbm>> -> memref<65536xf32, #tpu.memory_space<hbm>>
      %dma_wait3A_873 = tpu.memref_slice %arg5[%multiple_of3A] : memref<12800000xf32, #tpu.memory_space<hbm>> -> memref<65536xf32, #tpu.memory_space<hbm>>
      tpu.wait_dma2 semaphore(%arg17 : memref<!tpu.dma_semaphore, #tpu.memory_space<semaphore_mem>>) src(%arg10 : memref<65536xf32, #tpu.memory_space<vmem>>) dst(%dma_wait3A_873 : memref<65536xf32, #tpu.memory_space<hbm>>)
      %dma_wait3A_874 = tpu.memref_slice %arg6[%multiple_of3A_869] : memref<100000xi32, #tpu.memory_space<hbm>> -> memref<496xi32, #tpu.memory_space<hbm>>
      %dma_wait3A_875 = tpu.memref_slice %arg6[%multiple_of3A_869] : memref<100000xi32, #tpu.memory_space<hbm>> -> memref<496xi32, #tpu.memory_space<hbm>>
      tpu.wait_dma2 semaphore(%arg16 : memref<!tpu.dma_semaphore, #tpu.memory_space<semaphore_mem>>) src(%arg12 : memref<496xi32, #tpu.memory_space<vmem>>) dst(%dma_wait3A_875 : memref<496xi32, #tpu.memory_space<hbm>>)
    } else {
    }
    %not3A = arith.constant true
    %not3A_828 = arith.xori %le3A_544, %not3A : i1
    %convert_element_type3A_829 = arith.extui %not3A_828 : i1 to i32
    %cond3A_830 = arith.constant 0 : i32
    %cond3A_831 = arith.cmpi ne, %convert_element_type3A_829, %cond3A_830 : i32
    scf.if %cond3A_831 {
      %scan3A = arith.constant 0 : i32
      %scan3A_864 = arith.constant 0 : i32
      %scan3A_865 = arith.constant 512 : i32
      %scan3A_866 = arith.addi %scan3A_864, %scan3A_865 : i32
      %scan3A_867 = arith.constant 1 : i32
      scf.for %scan3A_933 = %scan3A_864 to %scan3A_866 step %scan3A_867  : i32 {
        %add3A_934 = arith.addi %select_n3A_538, %scan3A_933 : i32
        %ge3A_935 = arith.constant 100000 : i32
        %ge3A_936 = arith.cmpi sge, %add3A_934, %ge3A_935 : i32
        %sub3A_937 = arith.constant 100000 : i32
        %sub3A_938 = arith.subi %add3A_934, %sub3A_937 : i32
        %select_n3A_939 = arith.select %ge3A_936, %sub3A_938, %add3A_934 : i32
        %mul3A_940 = arith.constant 128 : i32
        %mul3A_941 = arith.muli %scan3A_933, %mul3A_940 : i32
        %multiple_of3A = tpu.assume_multiple %mul3A_941, 8 : i32
        %mul3A_942 = arith.constant 128 : i32
        %mul3A_943 = arith.muli %select_n3A_939, %mul3A_942 : i32
        %multiple_of3A_944 = tpu.assume_multiple %mul3A_943, 8 : i32
        "tpu.region"() ({
          %run_scoped3A = tpu.sem_alloc : memref<!tpu.dma_semaphore, #tpu.memory_space<semaphore_mem>>
          %dma_start3A_945 = tpu.memref_slice %arg10[%multiple_of3A] : memref<65536xf32, #tpu.memory_space<vmem>> -> memref<128xf32, #tpu.memory_space<vmem>>
          %dma_start3A_946 = tpu.memref_slice %arg5[%multiple_of3A_944] : memref<12800000xf32, #tpu.memory_space<hbm>> -> memref<128xf32, #tpu.memory_space<hbm>>
          %dma_start3A_947 = tpu.memref_slice %arg5[%multiple_of3A_944] : memref<12800000xf32, #tpu.memory_space<hbm>> -> memref<128xf32, #tpu.memory_space<hbm>>
          %dma_start3A_948 = tpu.memref_slice %arg10[%multiple_of3A] : memref<65536xf32, #tpu.memory_space<vmem>> -> memref<128xf32, #tpu.memory_space<vmem>>
          tpu.enqueue_dma source(%dma_start3A_948 : memref<128xf32, #tpu.memory_space<vmem>>) target(%dma_start3A_947 : memref<128xf32, #tpu.memory_space<hbm>>) target_semaphore(%run_scoped3A : memref<!tpu.dma_semaphore, #tpu.memory_space<semaphore_mem>>)
          %dma_wait3A_949 = tpu.memref_slice %arg10[%multiple_of3A] : memref<65536xf32, #tpu.memory_space<vmem>> -> memref<128xf32, #tpu.memory_space<vmem>>
          %dma_wait3A_950 = tpu.memref_slice %arg5[%multiple_of3A_944] : memref<12800000xf32, #tpu.memory_space<hbm>> -> memref<128xf32, #tpu.memory_space<hbm>>
          %dma_wait3A_951 = tpu.memref_slice %arg5[%multiple_of3A_944] : memref<12800000xf32, #tpu.memory_space<hbm>> -> memref<128xf32, #tpu.memory_space<hbm>>
          %dma_wait3A_952 = tpu.memref_slice %arg10[%multiple_of3A] : memref<65536xf32, #tpu.memory_space<vmem>> -> memref<128xf32, #tpu.memory_space<vmem>>
          tpu.wait_dma2 semaphore(%run_scoped3A : memref<!tpu.dma_semaphore, #tpu.memory_space<semaphore_mem>>) src(%dma_wait3A_952 : memref<128xf32, #tpu.memory_space<vmem>>) dst(%dma_wait3A_951 : memref<128xf32, #tpu.memory_space<hbm>>)
          tpu.yield
        }) : () -> ()
      }
      %scan3A_868 = arith.constant 512 : i32
      %dma_start3A_869 = arith.constant 0 : i32
      %dma_start3A_870 = arith.constant 0 : i32
      %dma_start3A_871 = tpu.memref_slice %arg11[%dma_start3A_870] : memref<512xi32, #tpu.memory_space<vmem>> -> memref<128xi32, #tpu.memory_space<vmem>>
      %dma_start3A_872 = arith.constant 0 : i32
      %dma_start3A_873 = tpu.memref_slice %arg13[%dma_start3A_869, %dma_start3A_872] : memref<4x128xi32, #tpu.memory_space<vmem>> -> memref<1x128xi32, #tpu.memory_space<vmem>>
      %dma_start3A_874 = tpu.memref_squeeze %dma_start3A_873 : memref<1x128xi32, #tpu.memory_space<vmem>> -> memref<128xi32, #tpu.memory_space<vmem>>
      %dma_start3A_875 = arith.constant 0 : i32
      %dma_start3A_876 = tpu.memref_slice %arg6[%dma_start3A_875] : memref<100000xi32, #tpu.memory_space<hbm>> -> memref<100000xi32, #tpu.memory_space<hbm>>
      tpu.enqueue_indirect_dma source(%dma_start3A_871 : memref<128xi32, #tpu.memory_space<vmem>>) target(%dma_start3A_876 : memref<100000xi32, #tpu.memory_space<hbm>>) offsets(%dma_start3A_874 : memref<128xi32, #tpu.memory_space<vmem>>) semaphore(%arg16 : memref<!tpu.dma_semaphore, #tpu.memory_space<semaphore_mem>>)
      %dma_start3A_877 = arith.constant 1 : i32
      %dma_start3A_878 = arith.constant 128 : i32
      %dma_start3A_879 = tpu.memref_slice %arg11[%dma_start3A_878] : memref<512xi32, #tpu.memory_space<vmem>> -> memref<128xi32, #tpu.memory_space<vmem>>
      %dma_start3A_880 = arith.constant 0 : i32
      %dma_start3A_881 = tpu.memref_slice %arg13[%dma_start3A_877, %dma_start3A_880] : memref<4x128xi32, #tpu.memory_space<vmem>> -> memref<1x128xi32, #tpu.memory_space<vmem>>
      %dma_start3A_882 = tpu.memref_squeeze %dma_start3A_881 : memref<1x128xi32, #tpu.memory_space<vmem>> -> memref<128xi32, #tpu.memory_space<vmem>>
      %dma_start3A_883 = arith.constant 0 : i32
      %dma_start3A_884 = tpu.memref_slice %arg6[%dma_start3A_883] : memref<100000xi32, #tpu.memory_space<hbm>> -> memref<100000xi32, #tpu.memory_space<hbm>>
      tpu.enqueue_indirect_dma source(%dma_start3A_879 : memref<128xi32, #tpu.memory_space<vmem>>) target(%dma_start3A_884 : memref<100000xi32, #tpu.memory_space<hbm>>) offsets(%dma_start3A_882 : memref<128xi32, #tpu.memory_space<vmem>>) semaphore(%arg16 : memref<!tpu.dma_semaphore, #tpu.memory_space<semaphore_mem>>)
      %dma_start3A_885 = arith.constant 2 : i32
      %dma_start3A_886 = arith.constant 256 : i32
      %dma_start3A_887 = tpu.memref_slice %arg11[%dma_start3A_886] : memref<512xi32, #tpu.memory_space<vmem>> -> memref<128xi32, #tpu.memory_space<vmem>>
      %dma_start3A_888 = arith.constant 0 : i32
      %dma_start3A_889 = tpu.memref_slice %arg13[%dma_start3A_885, %dma_start3A_888] : memref<4x128xi32, #tpu.memory_space<vmem>> -> memref<1x128xi32, #tpu.memory_space<vmem>>
      %dma_start3A_890 = tpu.memref_squeeze %dma_start3A_889 : memref<1x128xi32, #tpu.memory_space<vmem>> -> memref<128xi32, #tpu.memory_space<vmem>>
      %dma_start3A_891 = arith.constant 0 : i32
      %dma_start3A_892 = tpu.memref_slice %arg6[%dma_start3A_891] : memref<100000xi32, #tpu.memory_space<hbm>> -> memref<100000xi32, #tpu.memory_space<hbm>>
      tpu.enqueue_indirect_dma source(%dma_start3A_887 : memref<128xi32, #tpu.memory_space<vmem>>) target(%dma_start3A_892 : memref<100000xi32, #tpu.memory_space<hbm>>) offsets(%dma_start3A_890 : memref<128xi32, #tpu.memory_space<vmem>>) semaphore(%arg16 : memref<!tpu.dma_semaphore, #tpu.memory_space<semaphore_mem>>)
      %dma_start3A_893 = arith.constant 3 : i32
      %dma_start3A_894 = arith.constant 384 : i32
      %dma_start3A_895 = tpu.memref_slice %arg11[%dma_start3A_894] : memref<512xi32, #tpu.memory_space<vmem>> -> memref<128xi32, #tpu.memory_space<vmem>>
      %dma_start3A_896 = arith.constant 0 : i32
      %dma_start3A_897 = tpu.memref_slice %arg13[%dma_start3A_893, %dma_start3A_896] : memref<4x128xi32, #tpu.memory_space<vmem>> -> memref<1x128xi32, #tpu.memory_space<vmem>>
      %dma_start3A_898 = tpu.memref_squeeze %dma_start3A_897 : memref<1x128xi32, #tpu.memory_space<vmem>> -> memref<128xi32, #tpu.memory_space<vmem>>
      %dma_start3A_899 = arith.constant 0 : i32
      %dma_start3A_900 = tpu.memref_slice %arg6[%dma_start3A_899] : memref<100000xi32, #tpu.memory_space<hbm>> -> memref<100000xi32, #tpu.memory_space<hbm>>
      tpu.enqueue_indirect_dma source(%dma_start3A_895 : memref<128xi32, #tpu.memory_space<vmem>>) target(%dma_start3A_900 : memref<100000xi32, #tpu.memory_space<hbm>>) offsets(%dma_start3A_898 : memref<128xi32, #tpu.memory_space<vmem>>) semaphore(%arg16 : memref<!tpu.dma_semaphore, #tpu.memory_space<semaphore_mem>>)
      %dma_wait3A_901 = arith.constant 0 : i32
      %dma_wait3A_902 = arith.constant 0 : i32
      %dma_wait3A_903 = tpu.memref_slice %arg11[%dma_wait3A_902] : memref<512xi32, #tpu.memory_space<vmem>> -> memref<128xi32, #tpu.memory_space<vmem>>
      %dma_wait3A_904 = arith.constant 0 : i32
      %dma_wait3A_905 = tpu.memref_slice %arg13[%dma_wait3A_901, %dma_wait3A_904] : memref<4x128xi32, #tpu.memory_space<vmem>> -> memref<1x128xi32, #tpu.memory_space<vmem>>
      %dma_wait3A_906 = tpu.memref_squeeze %dma_wait3A_905 : memref<1x128xi32, #tpu.memory_space<vmem>> -> memref<128xi32, #tpu.memory_space<vmem>>
      %dma_wait3A_907 = arith.constant 0 : i32
      %dma_wait3A_908 = tpu.memref_slice %arg6[%dma_wait3A_907] : memref<100000xi32, #tpu.memory_space<hbm>> -> memref<100000xi32, #tpu.memory_space<hbm>>
      tpu.wait_indirect_dma semaphore(%arg16 : memref<!tpu.dma_semaphore, #tpu.memory_space<semaphore_mem>>) src(%dma_wait3A_903 : memref<128xi32, #tpu.memory_space<vmem>>) dst(%dma_wait3A_908 : memref<100000xi32, #tpu.memory_space<hbm>>)
      %dma_wait3A_909 = arith.constant 1 : i32
      %dma_wait3A_910 = arith.constant 128 : i32
      %dma_wait3A_911 = tpu.memref_slice %arg11[%dma_wait3A_910] : memref<512xi32, #tpu.memory_space<vmem>> -> memref<128xi32, #tpu.memory_space<vmem>>
      %dma_wait3A_912 = arith.constant 0 : i32
      %dma_wait3A_913 = tpu.memref_slice %arg13[%dma_wait3A_909, %dma_wait3A_912] : memref<4x128xi32, #tpu.memory_space<vmem>> -> memref<1x128xi32, #tpu.memory_space<vmem>>
      %dma_wait3A_914 = tpu.memref_squeeze %dma_wait3A_913 : memref<1x128xi32, #tpu.memory_space<vmem>> -> memref<128xi32, #tpu.memory_space<vmem>>
      %dma_wait3A_915 = arith.constant 0 : i32
      %dma_wait3A_916 = tpu.memref_slice %arg6[%dma_wait3A_915] : memref<100000xi32, #tpu.memory_space<hbm>> -> memref<100000xi32, #tpu.memory_space<hbm>>
      tpu.wait_indirect_dma semaphore(%arg16 : memref<!tpu.dma_semaphore, #tpu.memory_space<semaphore_mem>>) src(%dma_wait3A_911 : memref<128xi32, #tpu.memory_space<vmem>>) dst(%dma_wait3A_916 : memref<100000xi32, #tpu.memory_space<hbm>>)
      %dma_wait3A_917 = arith.constant 2 : i32
      %dma_wait3A_918 = arith.constant 256 : i32
      %dma_wait3A_919 = tpu.memref_slice %arg11[%dma_wait3A_918] : memref<512xi32, #tpu.memory_space<vmem>> -> memref<128xi32, #tpu.memory_space<vmem>>
      %dma_wait3A_920 = arith.constant 0 : i32
      %dma_wait3A_921 = tpu.memref_slice %arg13[%dma_wait3A_917, %dma_wait3A_920] : memref<4x128xi32, #tpu.memory_space<vmem>> -> memref<1x128xi32, #tpu.memory_space<vmem>>
      %dma_wait3A_922 = tpu.memref_squeeze %dma_wait3A_921 : memref<1x128xi32, #tpu.memory_space<vmem>> -> memref<128xi32, #tpu.memory_space<vmem>>
      %dma_wait3A_923 = arith.constant 0 : i32
      %dma_wait3A_924 = tpu.memref_slice %arg6[%dma_wait3A_923] : memref<100000xi32, #tpu.memory_space<hbm>> -> memref<100000xi32, #tpu.memory_space<hbm>>
      tpu.wait_indirect_dma semaphore(%arg16 : memref<!tpu.dma_semaphore, #tpu.memory_space<semaphore_mem>>) src(%dma_wait3A_919 : memref<128xi32, #tpu.memory_space<vmem>>) dst(%dma_wait3A_924 : memref<100000xi32, #tpu.memory_space<hbm>>)
      %dma_wait3A_925 = arith.constant 3 : i32
      %dma_wait3A_926 = arith.constant 384 : i32
      %dma_wait3A_927 = tpu.memref_slice %arg11[%dma_wait3A_926] : memref<512xi32, #tpu.memory_space<vmem>> -> memref<128xi32, #tpu.memory_space<vmem>>
      %dma_wait3A_928 = arith.constant 0 : i32
      %dma_wait3A_929 = tpu.memref_slice %arg13[%dma_wait3A_925, %dma_wait3A_928] : memref<4x128xi32, #tpu.memory_space<vmem>> -> memref<1x128xi32, #tpu.memory_space<vmem>>
      %dma_wait3A_930 = tpu.memref_squeeze %dma_wait3A_929 : memref<1x128xi32, #tpu.memory_space<vmem>> -> memref<128xi32, #tpu.memory_space<vmem>>
      %dma_wait3A_931 = arith.constant 0 : i32
      %dma_wait3A_932 = tpu.memref_slice %arg6[%dma_wait3A_931] : memref<100000xi32, #tpu.memory_space<hbm>> -> memref<100000xi32, #tpu.memory_space<hbm>>
      tpu.wait_indirect_dma semaphore(%arg16 : memref<!tpu.dma_semaphore, #tpu.memory_space<semaphore_mem>>) src(%dma_wait3A_927 : memref<128xi32, #tpu.memory_space<vmem>>) dst(%dma_wait3A_932 : memref<100000xi32, #tpu.memory_space<hbm>>)
    } else {
    }
    %dma_start3A_832 = arith.constant 0 : i32
    %dma_start3A_833 = arith.constant 0 : i32
    %dma_start3A_834 = tpu.memref_slice %arg11[%dma_start3A_833] : memref<512xi32, #tpu.memory_space<vmem>> -> memref<16xi32, #tpu.memory_space<vmem>>
    %dma_start3A_835 = arith.constant 0 : i32
    %dma_start3A_836 = tpu.memref_slice %arg14[%dma_start3A_832, %dma_start3A_835] : memref<2x16xi32, #tpu.memory_space<vmem>> -> memref<1x16xi32, #tpu.memory_space<vmem>>
    %dma_start3A_837 = tpu.memref_squeeze %dma_start3A_836 : memref<1x16xi32, #tpu.memory_space<vmem>> -> memref<16xi32, #tpu.memory_space<vmem>>
    %dma_start3A_838 = arith.constant 0 : i32
    %dma_start3A_839 = tpu.memref_slice %arg6[%dma_start3A_838] : memref<100000xi32, #tpu.memory_space<hbm>> -> memref<100000xi32, #tpu.memory_space<hbm>>
    tpu.enqueue_indirect_dma source(%dma_start3A_834 : memref<16xi32, #tpu.memory_space<vmem>>) target(%dma_start3A_839 : memref<100000xi32, #tpu.memory_space<hbm>>) offsets(%dma_start3A_837 : memref<16xi32, #tpu.memory_space<vmem>>) semaphore(%arg16 : memref<!tpu.dma_semaphore, #tpu.memory_space<semaphore_mem>>)
    %dma_start3A_840 = arith.constant 1 : i32
    %dma_start3A_841 = arith.constant 496 : i32
    %dma_start3A_842 = tpu.memref_slice %arg11[%dma_start3A_841] : memref<512xi32, #tpu.memory_space<vmem>> -> memref<16xi32, #tpu.memory_space<vmem>>
    %dma_start3A_843 = arith.constant 0 : i32
    %dma_start3A_844 = tpu.memref_slice %arg14[%dma_start3A_840, %dma_start3A_843] : memref<2x16xi32, #tpu.memory_space<vmem>> -> memref<1x16xi32, #tpu.memory_space<vmem>>
    %dma_start3A_845 = tpu.memref_squeeze %dma_start3A_844 : memref<1x16xi32, #tpu.memory_space<vmem>> -> memref<16xi32, #tpu.memory_space<vmem>>
    %dma_start3A_846 = arith.constant 0 : i32
    %dma_start3A_847 = tpu.memref_slice %arg6[%dma_start3A_846] : memref<100000xi32, #tpu.memory_space<hbm>> -> memref<100000xi32, #tpu.memory_space<hbm>>
    tpu.enqueue_indirect_dma source(%dma_start3A_842 : memref<16xi32, #tpu.memory_space<vmem>>) target(%dma_start3A_847 : memref<100000xi32, #tpu.memory_space<hbm>>) offsets(%dma_start3A_845 : memref<16xi32, #tpu.memory_space<vmem>>) semaphore(%arg16 : memref<!tpu.dma_semaphore, #tpu.memory_space<semaphore_mem>>)
    %dma_wait3A_848 = arith.constant 0 : i32
    %dma_wait3A_849 = arith.constant 0 : i32
    %dma_wait3A_850 = tpu.memref_slice %arg11[%dma_wait3A_849] : memref<512xi32, #tpu.memory_space<vmem>> -> memref<16xi32, #tpu.memory_space<vmem>>
    %dma_wait3A_851 = arith.constant 0 : i32
    %dma_wait3A_852 = tpu.memref_slice %arg14[%dma_wait3A_848, %dma_wait3A_851] : memref<2x16xi32, #tpu.memory_space<vmem>> -> memref<1x16xi32, #tpu.memory_space<vmem>>
    %dma_wait3A_853 = tpu.memref_squeeze %dma_wait3A_852 : memref<1x16xi32, #tpu.memory_space<vmem>> -> memref<16xi32, #tpu.memory_space<vmem>>
    %dma_wait3A_854 = arith.constant 0 : i32
    %dma_wait3A_855 = tpu.memref_slice %arg6[%dma_wait3A_854] : memref<100000xi32, #tpu.memory_space<hbm>> -> memref<100000xi32, #tpu.memory_space<hbm>>
    tpu.wait_indirect_dma semaphore(%arg16 : memref<!tpu.dma_semaphore, #tpu.memory_space<semaphore_mem>>) src(%dma_wait3A_850 : memref<16xi32, #tpu.memory_space<vmem>>) dst(%dma_wait3A_855 : memref<100000xi32, #tpu.memory_space<hbm>>)
    %dma_wait3A_856 = arith.constant 1 : i32
    %dma_wait3A_857 = arith.constant 496 : i32
    %dma_wait3A_858 = tpu.memref_slice %arg11[%dma_wait3A_857] : memref<512xi32, #tpu.memory_space<vmem>> -> memref<16xi32, #tpu.memory_space<vmem>>
    %dma_wait3A_859 = arith.constant 0 : i32
    %dma_wait3A_860 = tpu.memref_slice %arg14[%dma_wait3A_856, %dma_wait3A_859] : memref<2x16xi32, #tpu.memory_space<vmem>> -> memref<1x16xi32, #tpu.memory_space<vmem>>
    %dma_wait3A_861 = tpu.memref_squeeze %dma_wait3A_860 : memref<1x16xi32, #tpu.memory_space<vmem>> -> memref<16xi32, #tpu.memory_space<vmem>>
    %dma_wait3A_862 = arith.constant 0 : i32
    %dma_wait3A_863 = tpu.memref_slice %arg6[%dma_wait3A_862] : memref<100000xi32, #tpu.memory_space<hbm>> -> memref<100000xi32, #tpu.memory_space<hbm>>
    tpu.wait_indirect_dma semaphore(%arg16 : memref<!tpu.dma_semaphore, #tpu.memory_space<semaphore_mem>>) src(%dma_wait3A_858 : memref<16xi32, #tpu.memory_space<vmem>>) dst(%dma_wait3A_863 : memref<100000xi32, #tpu.memory_space<hbm>>)
    return
  }
}

</mosaic_0001>

<sc_bundles>
// kernel: kernel.3.cloned.1.call-start
scs
__scs_entry_jumppad:
0x0: {  	(pc) =	sbr.rel $0x88, $3  }
0x1: {  	(tag) =	ssettag $0x0;
	lr =	simm.s32 $0x1  }
0x2: {  	[smem:$0x3F9C] =	sst lr;
	_ =	strace $0xD0000000  }
0x3: {  	_ = 	snop  }
0x4: {  	_ = 	snop  }
0x5: {  	_ = 	snop  }
0x6: {  	_ = 	snop  }
0x7: {  	_ = 	snop  }
__scs_overlays_trampoline_lowered:
0x8: {  	[smem:$0x3FAB] =	sst s0  }
0x9: {  	[smem:$0x3FAC] =	sst s1  }
0xa: {  	[smem:$0x3FAD] =	sst s2  }
0xb: {  	[smem:$0x3FAE] =	sst s3  }
0xc: {  	[smem:$0x3FAF] =	sst s4  }
0xd: {  	[smem:$0x3FB0] =	sst s5  }
0xe: {  	[smem:$0x3FB1] =	sst s6  }
0xf: {  	[smem:$0x3FB2] =	sst s7  }
0x10: {  	[smem:$0x3FB3] =	sst s8  }
0x11: {  	[smem:$0x3FB4] =	sst s9;
	s0 =	simm.s32 @!p0 $0x0  }
0x12: {  	s1 =	sld [smem:$0x3F9A];
	s0 =	simm.s32 @p0 $0x1  }
0x13: {  	[smem:$0x3FB5] =	sst s0;
	s0 =	simm.s32 @!p1 $0x0  }
0x14: {  	s2 =	sld [smem:$0x3F99];
	s0 =	simm.s32 @p1 $0x1  }
0x15: {  	[smem:$0x3FB6] =	sst s0;
	s0 =	simm.s32 @!p2 $0x0  }
0x16: {  	s3 =	sld [smem:$0x3FDB];
	s0 =	simm.s32 @p2 $0x1  }
0x17: {  	s4 =	simm.s32 $0x1BF5;
	[smem:$0x3FB8] =	sst s0  }
0x18: {  	s0 =	sld [smem:$0x3F9B];
	_ =	swait.ge [sflag:s4], $0x0  }
0x19: {  	s7 =	sld [smem:$0x3F9C]  }
0x1a: {  	s8 =	sadd.s32 $0xFFFFE003, lr  }
0x1b: {  	s9 =	sadd.s32 $0xFFFFFEF7, lr;
	s5 =	simm.s32 $0xFFFFFFFF;
	p2 =	slt.u32 s8, $0xFFFFF086  }
0x1c: {  	p1 =	slt.u32 s9, $0xF7A;
	s5 =	simm.s32 @!p2 $0x0  }
0x1d: {  	s5 =	simm.s32 @p1 $0x1;
	p0 =	seq.s32 s7, s2  }
0x1e: {  	s7 =	smul.u32 @!p0 $0xF7A, s2;
	p2 =	seq.s32 @!p0 s5, $0x0  }
0x1f: {  	s9 =	smul.u32 $0xF7A, s1;
	s8 =	simm.s32 @!p0 $0x1BF5;
	p2 =	por !p2, p0  }
0x20: {  	[sflag:s8] =	ssyncset.s32 @!p0 $0xFFFFF086;
	s6 =	sadd.s32 @!p0 s3, s7;
	s7 =	simm.s32 @!p0 $0x108  }
0x21: {  	s3 =	sadd.s32 s3, s9;
	s6 =	sadd.s32 @!p0 $0x88, s6;
	s7 =	simm.s32 @p2 $0x1082  }
0x22: {  	[simem:s7], [sflag:s8] =	dma.local @!p0 [hbm:s6], $0xF7A  }
0x23: {  	s9 =	sor.u32 $0xD0000000, s2;
	s6 =	simm.s32 $0x108;
	_ =	swait.ge @!p0 [sflag:s8], $0x0  }
0x24: {  	s3 =	sadd.s32 $0x88, s3;
	s6 =	simm.s32 @!p1 $0x1082;
	[sflag:s4] =	ssyncset.s32 $0xFFFFF086  }
0x25: {  	[simem:s6], [sflag:s4] =	dma.local [hbm:s3], $0xF7A  }
0x26: {  	[smem:$0x3F9C] =	sst s1;
	(tag) =	ssettag s2;
	_ =	strace s9  }
0x27: {  	s1 =	sld [smem:$0x3FAC]  }
0x28: {  	s2 =	sld [smem:$0x3FAD]  }
0x29: {  	s4 =	sld [smem:$0x3FAF]  }
0x2a: {  	p0 =	seq.s32 s5, $0x0;
	s5 =	sld [smem:$0x3FB0]  }
0x2b: {  	s6 =	sld [smem:$0x3FB1]  }
0x2c: {  	s7 =	sld [smem:$0x3FB2]  }
0x2d: {  	s3 =	simm.s32 $0x108;
	s8 =	sld [smem:$0x3FB3]  }
0x2e: {  	s3 =	simm.s32 @!p0 $0x1082;
	s9 =	sld [smem:$0x3FB4]  }
0x2f: {  	lr =	sadd.s32 s0, s3;
	s0 =	sld [smem:$0x3FAB]  }
0x30: {  	s3 =	sld [smem:$0x3FAE]  }
0x31: {  	[smem:$0x3FB7] =	sst s10  }
0x32: {  	s10 =	sld [smem:$0x3FB5];
	_ =	sdelay $0x3  }
0x33: {  	p0 =	seq.s32 s10, $0x1;
	s10 =	sld [smem:$0x3FB7];
	_ =	sdelay $0x3  }
0x34: {  	[smem:$0x3FB7] =	sst s10  }
0x35: {  	s10 =	sld [smem:$0x3FB6];
	_ =	sdelay $0x3  }
0x36: {  	p1 =	seq.s32 s10, $0x1;
	s10 =	sld [smem:$0x3FB7];
	_ =	sdelay $0x3  }
0x37: {  	[smem:$0x3FB7] =	sst s10  }
0x38: {  	s10 =	sld [smem:$0x3FB8]  }
0x39: {  	_ = 	snop;
	(pc) =	sbr.ind lr, $3  }
0x3a: {  	_ = 	snop  }
0x3b: {  	_ = 	snop  }
0x3c: {  	p2 =	seq.s32 s10, $0x1;
	s10 =	sld [smem:$0x3FB7]  }
0x3d: {  	_ =	shalt  }
0x3e: {  	_ =	shalt  }
0x3f: {  	_ =	shalt  }
0x40: {  	_ =	shalt  }
0x41: {  	_ =	shalt  }
0x42: {  	_ =	shalt  }
0x43: {  	_ =	shalt  }
0x44: {  	_ =	shalt  }
0x45: {  	_ =	shalt  }
0x46: {  	_ =	shalt  }
0x47: {  	_ =	shalt  }
0x48: {  	_ =	shalt  }
0x49: {  	_ =	shalt  }
0x4a: {  	_ =	shalt  }
0x4b: {  	_ =	shalt  }
0x4c: {  	_ =	shalt  }
0x4d: {  	_ =	shalt  }
0x4e: {  	_ =	shalt  }
0x4f: {  	_ =	shalt  }
0x50: {  	_ =	shalt  }
0x51: {  	_ =	shalt  }
0x52: {  	_ =	shalt  }
0x53: {  	_ =	shalt  }
0x54: {  	_ =	shalt  }
0x55: {  	_ =	shalt  }
0x56: {  	_ =	shalt  }
0x57: {  	_ =	shalt  }
0x58: {  	_ =	shalt  }
0x59: {  	_ =	shalt  }
0x5a: {  	_ =	shalt  }
0x5b: {  	_ =	shalt  }
0x5c: {  	_ =	shalt  }
0x5d: {  	_ =	shalt  }
0x5e: {  	_ =	shalt  }
0x5f: {  	_ =	shalt  }
0x60: {  	_ =	shalt  }
0x61: {  	_ =	shalt  }
0x62: {  	_ =	shalt  }
0x63: {  	_ =	shalt  }
0x64: {  	_ =	shalt  }
0x65: {  	_ =	shalt  }
0x66: {  	_ =	shalt  }
0x67: {  	_ =	shalt  }
0x68: {  	_ =	shalt  }
0x69: {  	_ =	shalt  }
0x6a: {  	_ =	shalt  }
0x6b: {  	_ =	shalt  }
0x6c: {  	_ =	shalt  }
0x6d: {  	_ =	shalt  }
0x6e: {  	_ =	shalt  }
0x6f: {  	_ =	shalt  }
0x70: {  	_ =	shalt  }
0x71: {  	_ =	shalt  }
0x72: {  	_ =	shalt  }
0x73: {  	_ =	shalt  }
0x74: {  	_ =	shalt  }
0x75: {  	_ =	shalt  }
0x76: {  	_ =	shalt  }
0x77: {  	_ =	shalt  }
0x78: {  	_ =	shalt  }
0x79: {  	_ =	shalt  }
0x7a: {  	_ =	shalt  }
0x7b: {  	_ =	shalt  }
0x7c: {  	_ =	shalt  }
0x7d: {  	_ =	shalt  }
0x7e: {  	_ =	shalt  }
0x7f: {  	_ =	shalt  }
0x80: {  	_ =	shalt  }
0x81: {  	_ =	shalt  }
0x82: {  	_ =	shalt  }
0x83: {  	_ =	shalt  }
0x84: {  	_ =	shalt  }
0x85: {  	_ =	shalt  }
0x86: {  	_ =	shalt  }
0x87: {  	_ =	shalt  }
.Lfunc_end0:
.L_simem_size_0:
called_computation_lowered:
.L_overlay_start_0:
0x88: {  	s2 =	sld [smem:$0x3FD9]  }
0x89: {  	s3 =	sld [smem:$0x3FFE];
	_ =	sdelay $0x1  }
0x8a: {  	s1 =	srdreg.scid  }
0x8b: {  	s0 =	sand.u32 $0x1, s1  }
0x8c: {  	s14 =	sshll.u32 s0, $0xA;
	s2 =	sadd.s32 s3, s2  }
0x8d: {  	s2 =	sadd.s32 s2, s14  }
0x8e: {  	[smem:$0x3FC3] =	sst s2  }
0x8f: {  	_ = 	snop  }
0x90: {  	s2 =	sld [smem:$0x3FD0];
	_ =	sdelay $0x1  }
0x91: {  	s15 =	sld [smem:$0x3FC9]  }
0x92: {  	s5 =	simm.s32 $0xA;
	s6 =	simm.s32 $0x10;
	s4 =	sld [smem:$0x3FC8]  }
0x93: {  	[smem:s6], [sflag:s5] =	dma.local [hbm:s2], $0x1  }
0x94: {  	_ =	swait.eq [sflag:s5], $0x1  }
0x95: {  	[sflag:s5] =	ssyncset.done $0x0  }
0x96: {  	s16 =	sld [smem:$0x10];
	[sflag:s5] =	ssyncadd.s32 $0xFFFFFFFF  }
0x97: {  	s17 =	sld [smem:$0x11];
	(tm) =	ssettm $0x1  }
0x98: {  	s18 =	sld [smem:$0x3FFB];
	_ =	sdelay $0x3  }
0x99: {  	_ =	strace s18  }
0x9a: {  	s6 =	sld [smem:$0x3FFC];
	_ =	sdelay $0x3  }
0x9b: {  	_ =	strace s6  }
0x9c: {  	s6 =	sld [smem:$0x3FFD];
	_ =	sdelay $0x3  }
0x9d: {  	_ =	strace s6  }
0x9e: {  	_ =	strace $0x8FFFFFFF  }
0x9f: {  	s19 =	sld [smem:$0x3FDB];
	_ =	sdelay $0x1  }
0xa0: {  	s7 =	simm.s32 $_scs_section_size  }
0xa1: {  	s8 =	simm.s32 $_size__tile_overlayer_lowered;
	s9 =	simm.s32 $_tile_overlayer_lowered  }
0xa2: {  	s22 =	simm.s32 $0x1BFF;
	s21 =	sshll.u32 s9, $0x1;
	s6 =	sadd.s32 s7, s19  }
0xa3: {  	s10 =	simm.s32 $0x0;
	s20 =	sshll.u32 s8, $0x1;
	s8 =	sadd.s32 s21, s6  }
0xa4: {  	[timem:s10], [sflag:s22] =	dma.local [hbm:s8], s20  }
0xa5: {  	_ =	swait.ge [sflag:s22], s20  }
0xa6: {  	s7 =	ssub.s32 $0x0, s20;
	[sflag:s22] =	ssyncset.done $0x0  }
0xa7: {  	[sflag:s22] =	ssyncadd.s32 s7;
	_ =	sdelay $0x1  }
0xa8: {  	s23 =	simm.s32 $0x1B8B  }
0xa9: {  	_ =	swait.ge [sflag:s23], $0x1  }
0xaa: {  	[sflag:s23] =	ssyncset.done $0x0  }
0xab: {  	s25 =	simm.s32 $0x1B8E;
	s24 =	sld [smem:$0x3FFE];
	[sflag:s23] =	ssyncadd.s32 $0xFFFFFFFF  }
0xac: {  	s26 =	simm.s32 $execute0_lowered;
	[smem:$0x3FD2] =	sst s25  }
0xad: {  	s8 =	sshll.u32 s26, $0x1;
	_ =	strace $0x80000046;
	[dreg:$0x1] =	wrdreg $0xFFFFFFFF  }
0xae: {  	s28 =	simm.s32 $_size_execute0_lowered;
	s6 =	sadd.s32 s6, s8;
	[dreg:$0x0] =	wrdreg $0x0  }
0xaf: {  	s8 =	sshll.u32 s28, $0x1;
	[dreg:$0x2] =	wrdreg s6  }
0xb0: {  	[dreg:$0x3] =	wrdreg s8  }
0xb1: {  	[dreg:$0x4] =	wrdreg $0xC0  }
0xb2: {  	_ =	task [dreg:s10], $0x5FFFF  }
0xb3: {  	[dreg:$0x1] =	wrdreg $0xFFFFFFFF  }
0xb4: {  	[dreg:$0x0] =	wrdreg $0x60  }
0xb5: {  	[dreg:$0x2] =	wrdreg s15  }
0xb6: {  	[dreg:$0x3] =	wrdreg s4  }
0xb7: {  	[dreg:$0x4] =	wrdreg s24  }
0xb8: {  	[dreg:$0x5] =	wrdreg s16  }
0xb9: {  	[dreg:$0x6] =	wrdreg s17  }
0xba: {  	[dreg:$0x7] =	wrdreg $0x9  }
0xbb: {  	_ =	task.clear_ibuf [dreg:s10], $0x8FFFF;
	_ =	strace $0x90000046  }
0xbc: {  	s29 =	simm.s32 $0x9;
	_ =	strace $0x80000048  }
0xbd: {  	_ =	swait.ge [sflag:s29], $0x1  }
0xbe: {  	[sflag:s29] =	ssyncadd.s32 $0xFFFFFFFF  }
0xbf: {  	_ =	strace $0x90000048  }
0xc0: {  	_ =	sfence  }
0xc1: {  	s30 =	sld [smem:$0x0];
	_ =	sdelay $0x2  }
0xc2: {  	s31 =	sshll.u32 s1, $0xD;
	s1 =	sshrl.u32 s1, $0x2  }
0xc3: {  	s3 =	sand.u32 $0x4000, s31;
	s1 =	sadd.s32 s1, s30  }
0xc4: {  	s0 =	sor.u32 s3, s0;
	s1 =	sshll.u32 s1, $0x11  }
0xc5: {  	s0 =	sor.u32 s1, s0  }
0xc6: {  	s0 =	sadd.s32 $0x8F2B, s0  }
0xc7: {  	[sflag:s0] =	ssyncadd.remote.s32 $0x1  }
0xc8: {  	_ =	sfence.sel $0xFFFF  }
0xc9: {  	[dreg:$0x0] =	wrdreg $0xFFFFFFFF;
	(pc) =	sbr.abs _section_cstart, $3  }
0xca: {  	[dreg:$0x1] =	wrdreg $0xFFFFFFFF  }
0xcb: {  	_ =	task.clear_ibuf [dreg:s10], $0x2FFFF;
	_ =	strace $0x9FFFFFFF  }
0xcc: {  	(tm) =	ssettm $0x7FFFFFFF  }
0xcd: {  	_ =	shalt  }
tec
execute0_lowered:
.L_overlay_start_1:
0x0: {  	(tag) =	ssettag $0x1  }
0x1: {  	v0 =	vlaneseq.u32  }
0x2: {  	v15 =	vor.u32 $0x70, v0;
	v16 =	vor.u32 $0xFFFE79D0, v0;
	v17 =	vor.u32 $0x80, v0  }
0x3: {  	s0 =	srdreg.scid;
	s1 =	stileid.u32;
	v18 =	vor.u32 $0xFFFE79E0, v0;
	v19 =	vor.u32 $0x90, v0;
	v20 =	vor.u32 $0xFFFE79F0, v0  }
0x4: {  	s0 =	sand.u32 $0x1, s0;
	s1 =	sshll.u32 s1, $0x1;
	v21 =	vor.u32 $0xA0, v0;
	v22 =	vor.u32 $0xFFFE7A00, v0;
	v23 =	vor.u32 $0xB0, v0  }
0x5: {  	v24 =	vor.u32 $0xFFFE7A10, v0;
	v25 =	vor.u32 $0xC0, v0;
	v26 =	vor.u32 $0xFFFE7A20, v0;
	s3 =	sor.u32 s0, s1  }
0x6: {  	v27 =	vor.u32 $0xD0, v0;
	v28 =	vor.u32 $0xFFFE7A30, v0;
	v29 =	vor.u32 $0xE0, v0;
	s1 =	sshll.u32 s3, $0x9  }
0x7: {  	v30 =	vor.u32 $0xFFFE7A40, v0;
	v31 =	vor.u32 $0xF0, v0;
	v1 =	vmov s1  }
0x8: {  	s7 =	rddreg [dreg:$0x0];
	v32 =	vor.u32 $0xFFFE7A50, v0;
	v33 =	vor.u32 $0x100, v0;
	[tilespmem:$0x1FF20] =	vst v1;
	v1 =	vor.u32 $0xFFFE7960, v0  }
0x9: {  	s8 =	rddreg [dreg:$0x1];
	v34 =	vor.u32 $0xFFFE7A60, v0;
	v35 =	vor.u32 $0x110, v0;
	[tilespmem:$0x1FF30] =	vst v1;
	v1 =	vor.u32 $0x10, v0  }
0xa: {  	s6 =	rddreg [dreg:$0x2];
	v36 =	vor.u32 $0xFFFE7A70, v0;
	v37 =	vor.u32 $0x120, v0;
	[tilespmem:$0x1FF40] =	vst v1;
	v1 =	vor.u32 $0xFFFE7970, v0  }
0xb: {  	s2 =	rddreg [dreg:$0x3];
	v38 =	vor.u32 $0xFFFE7A80, v0;
	v39 =	vor.u32 $0x130, v0;
	[tilespmem:$0x1FF50] =	vst v1;
	v1 =	vor.u32 $0x20, v0  }
0xc: {  	s4 =	rddreg [dreg:$0x4];
	v40 =	vor.u32 $0xFFFE7A90, v0;
	v41 =	vor.u32 $0x140, v0;
	[tilespmem:$0x1FF60] =	vst v1;
	v1 =	vor.u32 $0xFFFE7980, v0  }
0xd: {  	s5 =	simm.s32 $0x0;
	s11 =	simm.s32 $0x10080;
	s12 =	simm.s32 $0x4;
	v42 =	vor.u32 $0xFFFE7AA0, v0;
	v43 =	vor.u32 $0x150, v0;
	[tilespmem:$0x1FF70] =	vst v1;
	v1 =	vor.u32 $0x30, v0  }
0xe: {  	s13 =	simm.s32 $0x1;
	s18 =	simm.s32 $0x10680;
	s19 =	simm.s32 $0x10700;
	v44 =	vor.u32 $0xFFFE7AB0, v0;
	v45 =	vor.u32 $0x160, v0;
	[tilespmem:$0x1FF80] =	vst v1;
	v1 =	vor.u32 $0xFFFE7990, v0  }
0xf: {  	s14 =	simm.s32 $0x2;
	s20 =	simm.s32 $0x10270;
	s22 =	simm.s32 $0x10500;
	v46 =	vor.u32 $0xFFFE7AC0, v0;
	v47 =	vor.u32 $0x170, v0;
	[tilespmem:$0x1FF90] =	vst v1;
	v1 =	vor.u32 $0x40, v0  }
0x10: {  	s16 =	simm.s32 $0x3;
	s23 =	simm.s32 $0x10100;
	s24 =	simm.s32 $0x10580;
	v48 =	vor.u32 $0xFFFE7AD0, v0;
	v49 =	vor.u32 $0x180, v0;
	[tilespmem:$0x1FFA0] =	vst v1;
	v1 =	vor.u32 $0xFFFE79A0, v0  }
0x11: {  	s17 =	simm.s32 $0x10;
	s25 =	simm.s32 $0x10180;
	s26 =	simm.s32 $0x10600;
	v50 =	vor.u32 $0xFFFE7AE0, v0;
	v51 =	vor.u32 $0x190, v0;
	[tilespmem:$0x1FFB0] =	vst v1;
	v1 =	vor.u32 $0x50, v0  }
.Ltmp0:
0x12: {  	s28 =	simm.s32 $0x10200;
	s29 =	simm.s32 $0x0;
	v52 =	vor.u32 $0xFFFE7AF0, v0;
	v53 =	vor.u32 $0x1A0, v0;
	[tilespmem:$0x1FFC0] =	vst v1;
	v1 =	vor.u32 $0xFFFE79B0, v0;
	(pc) =	sbr.rel .LBB2_1-.Ltmp0, $4  }
0x13: {  	[smem:$0x7FF] =	sst s5;
	s6 =	sadd.s32 $0x800, s6;
	v54 =	vor.u32 $0xFFFE7B00, v0;
	v55 =	vor.u32 $0x1B0, v0;
	s0 =	ssub.s32 $0x2, s0;
	[tilespmem:$0x1FFD0] =	vst v1;
	v1 =	vor.u32 $0x60, v0  }
0x14: {  	v56 =	vor.u32 $0xFFFE7B10, v0;
	v57 =	vor.u32 $0x1C0, v0;
	s9 =	sshrl.u32 s0, $0x1;
	s10 =	sshll.u32 s3, $0xD;
	s3 =	sshll.u32 s3, $0x6;
	[tilespmem:$0x1FFE0] =	vst v1;
	v1 =	vor.u32 $0xFFFE79C0, v0  }
0x15: {  	v58 =	vor.u32 $0xFFFE7B20, v0;
	v59 =	vor.u32 $0x1D0, v0;
	v60 =	vor.u32 $0xFFFE7B30, v0;
	s0 =	ssub.s32 s0, s9;
	s7 =	sadd.s32 s7, s10;
	s8 =	sadd.s32 s8, s3;
	[tilespmem:$0x1FFF0] =	vst v1  }
0x16: {  	v61 =	vor.u32 $0x1E0, v0;
	v62 =	vor.u32 $0xFFFE7B40, v0;
	v63 =	vor.u32 $0x1F0, v0;
	s10 =	simm.s32 $0x80;
	s9 =	smax.u32 s0, $0x1;
	_ =	strace $0x80000047  }
.LBB2_7:
0x17: {  	s0 =	sshll.u32 s30, $0x4  }
0x18: {  	s0 =	sand.u32 $0x1FFFFFF0, s0  }
0x19: {  	s31 =	sadd.s32 s30, s31;
	s0 =	sadd.s32 s2, s0  }
0x1a: {  	[hbm4b:s0+s5] =	stream.linear.scatter [tilespmem:s10], [sflag:$0x3], $0x10000, $0x38;
	[tilespmem:$0x10780] =	vst v63  }
0x1b: {  	s0 =	sshrl.u32 s31, $0x3  }
0x1c: {  	s3 =	simm.s32 $0x10280;
	s0 =	sadd.s32 s4, s0  }
0x1d: {  	[hbm4b:s0+s5] =	stream.linear.scatter [tilespmem:s3], [sflag:$0x2], $0x1F0, $0x38;
	[tilespmem:$0x10780] =	vst v63  }
0x1e: {  	_ =	swait.ge [sflag:s16], $0x10000  }
0x1f: {  	[sflag:s16] =	ssyncset.done $0x0  }
0x20: {  	[sflag:s16] =	ssyncadd.s32 $0xFFFF0000  }
0x21: {  	_ =	swait.ge [sflag:s14], $0x1F0  }
0x22: {  	[sflag:s14] =	ssyncset.done $0x0  }
0x23: {  	[sflag:s14] =	ssyncadd.s32 $0xFFFFFE10  }
.LBB2_5:
0x24: {  	[hbm4b:s4+s17] =	stream.indirect.scatter [tilespmem:s11], [sflag:$0x2], $0x1, s18, s17, $0xb8;
	[tilespmem:$0x10780] =	vst v63  }
0x25: {  	s29 =	sadd.s32 $0x1, s29  }
0x26: {  	[hbm4b:s4+s17] =	stream.indirect.scatter [tilespmem:s20], [sflag:$0x2], $0x1, s19, s17, $0xb8;
	[tilespmem:$0x10780] =	vst v63  }
0x27: {  	p0 =	sne.s32 s29, s9;
	_ =	swait.ge [sflag:s14], $0x10  }
.Ltmp1:
0x28: {  	[sflag:s14] =	ssyncset.done $0x0;
	(pc) =	sbr.rel @!p0 .LBB2_6-.Ltmp1, $4  }
0x29: {  	[sflag:s14] =	ssyncadd.s32 $0xFFFFFFF0  }
0x2a: {  	_ =	swait.ge [sflag:s14], $0x10  }
0x2b: {  	[sflag:s14] =	ssyncset.done $0x0  }
0x2c: {  	[sflag:s14] =	ssyncadd.s32 $0xFFFFFFF0  }
.LBB2_1:
0x2d: {  	[tilespmem:s10], [sflag:$0x1] =	stream.linear.gather [hbm4b:s7+s5], $0x10000, $0x38;
	[tilespmem:$0x10780] =	vst v63  }
0x2e: {  	_ = 	snop  }
0x2f: {  	[tilespmem:s11], [sflag:$0x2] =	stream.linear.gather [hbm4b:s8+s5], $0x200, $0x38;
	[tilespmem:$0x10780] =	vst v63  }
0x30: {  	_ = 	snop  }
0x31: {  	[tilespmem:s5], [sflag:$0x4] =	stream.linear.gather [hbm4b:s6+s5], $0x80, $0x38;
	[tilespmem:$0x10780] =	vst v63  }
0x32: {  	_ =	swait.ge [sflag:s12], $0x80  }
0x33: {  	v1 =	vld [tilespmem:$0x1FF20]  }
0x34: {  	[sflag:s12] =	ssyncset.done $0x0;
	v4 =	vld [tilespmem:$0x1FF40]  }
0x35: {  	v5 =	vld [tilespmem:$0x1FF30];
	[sflag:s12] =	ssyncadd.s32 $0xFFFFFF80  }
0x36: {  	v2 =	vld [tilespmem:$0x0]  }
0x37: {  	v6 =	vld [tilespmem:$0x1FF50]  }
0x38: {  	v9 =	vld [tilespmem:$0x1FF60]  }
0x39: {  	v7 =	vld [tilespmem:$0x1FF80]  }
0x3a: {  	v8 =	vld [tilespmem:$0x1FF90]  }
0x3b: {  	v1 =	vadd.s32 v1, v2  }
0x3c: {  	v10 =	vld [tilespmem:$0x1FF70];
	(v2sf) =	vpush v2, $0x0;
	v3 =	vadd.s32 v0, v1;
	v4 =	vadd.s32 v4, v1  }
0x3d: {  	v11 =	vld [tilespmem:$0x1FFA0];
	v5 =	vadd.s32 v5, v1;
	v6 =	vadd.s32 v6, v1;
	vm0 =	vgt.s32 v3, $0x1869F  }
0x3e: {  	v7 =	vadd.s32 v7, v1;
	v3 =	vsel vm0, v5, v3;
	v5 =	vadd.s32 v9, v1;
	v9 =	vld [tilespmem:$0x1FFB0]  }
0x3f: {  	v8 =	vadd.s32 v8, v1;
	v12 =	vadd.s32 v16, v1;
	vm1 =	vgt.s32 v4, $0x1869F  }
0x40: {  	v13 =	vadd.s32 v19, v1;
	vm11 =	vgt.s32 v7, $0x1869F;
	v4 =	vsel vm1, v6, v4  }
0x41: {  	v6 =	vadd.s32 v10, v1;
	v7 =	vsel vm11, v8, v7;
	v8 =	vld [tilespmem:$0x1FFC0];
	vm10 =	vgt.s32 v5, $0x1869F  }
0x42: {  	v14 =	vadd.s32 v22, v1;
	v10 =	vld [tilespmem:$0x1FFE0];
	v5 =	vsel vm10, v6, v5;
	v6 =	vadd.s32 v11, v1  }
0x43: {  	v2 =	vadd.s32 v47, v1;
	[tilespmem:$0x10480] =	vst v3;
	v11 =	vld [tilespmem:$0x1FFF0];
	vm12 =	vgt.s32 v6, $0x1869F;
	v9 =	vadd.s32 v9, v1  }
0x44: {  	vm5 =	vgt.s32 v13, $0x1869F;
	[tilespmem:$0x10680] =	vst v3;
	v3 =	vadd.s32 v20, v1;
	v6 =	vsel vm12, v9, v6;
	v9 =	vld [tilespmem:$0x1FFD0]  }
0x45: {  	[tilespmem:$0x104B0] =	vst v7;
	v7 =	vadd.s32 v27, v1;
	v3 =	vsel vm5, v3, v13;
	v13 =	vadd.s32 v25, v1  }
0x46: {  	vm9 =	vgt.s32 v7, $0x1869F;
	[tilespmem:$0x104A0] =	vst v5;
	v5 =	vadd.s32 v24, v1;
	v8 =	vadd.s32 v8, v1  }
0x47: {  	vm8 =	vgt.s32 v13, $0x1869F;
	v10 =	vadd.s32 v10, v1;
	vm13 =	vgt.s32 v8, $0x1869F  }
0x48: {  	vm14 =	vgt.s32 v10, $0x1869F;
	v11 =	vadd.s32 v11, v1;
	[tilespmem:$0x104C0] =	vst v6;
	v6 =	vadd.s32 v26, v1  }
0x49: {  	v10 =	vsel vm14, v11, v10;
	v11 =	vadd.s32 v17, v1;
	v9 =	vadd.s32 v9, v1  }
0x4a: {  	[tilespmem:$0x10490] =	vst v4;
	v6 =	vsel vm8, v6, v13;
	v8 =	vsel vm13, v9, v8;
	v9 =	vadd.s32 v15, v1  }
0x4b: {  	vm4 =	vgt.s32 v11, $0x1869F;
	[tilespmem:$0x104E0] =	vst v10;
	v10 =	vadd.s32 v30, v1;
	vm15 =	vgt.s32 v9, $0x1869F  }
0x4c: {  	[tilespmem:$0x104D0] =	vst v8;
	v8 =	vadd.s32 v29, v1;
	v9 =	vsel vm15, v12, v9;
	v12 =	vadd.s32 v18, v1  }
0x4d: {  	[tilespmem:$0x10540] =	vst v6;
	v6 =	vadd.s32 v38, v1;
	vm10 =	vgt.s32 v8, $0x1869F;
	v11 =	vsel vm4, v12, v11  }
0x4e: {  	v12 =	vadd.s32 v21, v1;
	[tilespmem:$0x104F0] =	vst v9;
	v8 =	vsel vm10, v10, v8;
	v9 =	vadd.s32 v33, v1  }
0x4f: {  	v10 =	vadd.s32 v32, v1;
	vm6 =	vgt.s32 v12, $0x1869F;
	[tilespmem:$0x10500] =	vst v11;
	vm12 =	vgt.s32 v9, $0x1869F  }
0x50: {  	v11 =	vadd.s32 v34, v1;
	[tilespmem:$0x10560] =	vst v8;
	v8 =	vadd.s32 v42, v1;
	v4 =	vsel vm6, v14, v12  }
0x51: {  	v12 =	vadd.s32 v23, v1;
	v9 =	vsel vm12, v11, v9;
	v11 =	vadd.s32 v37, v1  }
0x52: {  	vm7 =	vgt.s32 v12, $0x1869F;
	[tilespmem:$0x10520] =	vst v4;
	v4 =	vadd.s32 v36, v1;
	vm14 =	vgt.s32 v11, $0x1869F  }
0x53: {  	[tilespmem:$0x10580] =	vst v9;
	v9 =	vadd.s32 v51, v1;
	v5 =	vsel vm7, v5, v12;
	v12 =	vadd.s32 v28, v1  }
0x54: {  	v6 =	vsel vm14, v6, v11;
	v11 =	vadd.s32 v45, v1;
	vm7 =	vgt.s32 v2, $0x1869F  }
0x55: {  	v7 =	vsel vm9, v12, v7;
	v12 =	vadd.s32 v31, v1;
	[tilespmem:$0x10530] =	vst v5;
	v5 =	vadd.s32 v39, v1  }
0x56: {  	vm6 =	vgt.s32 v11, $0x1869F;
	[tilespmem:$0x105A0] =	vst v6;
	v6 =	vadd.s32 v49, v1;
	vm9 =	vgt.s32 v9, $0x1869F  }
0x57: {  	vm11 =	vgt.s32 v12, $0x1869F;
	vm15 =	vgt.s32 v5, $0x1869F;
	[tilespmem:$0x10550] =	vst v7;
	v7 =	vadd.s32 v41, v1  }
0x58: {  	[tilespmem:$0x10510] =	vst v3;
	vm8 =	vgt.s32 v6, $0x1869F;
	v3 =	vsel vm11, v10, v12;
	v10 =	vadd.s32 v35, v1  }
0x59: {  	vm4 =	vgt.s32 v7, $0x1869F;
	vm13 =	vgt.s32 v10, $0x1869F;
	[tilespmem:$0x10570] =	vst v3;
	v3 =	vadd.s32 v44, v1  }
0x5a: {  	v7 =	vsel vm4, v8, v7;
	v4 =	vsel vm13, v4, v10;
	v10 =	vadd.s32 v40, v1  }
0x5b: {  	v8 =	vadd.s32 v46, v1;
	[tilespmem:$0x105C0] =	vst v7;
	v5 =	vsel vm15, v10, v5;
	v10 =	vadd.s32 v43, v1  }
0x5c: {  	[tilespmem:$0x10590] =	vst v4;
	v4 =	vsel vm6, v8, v11;
	v8 =	vadd.s32 v50, v1;
	v11 =	vadd.s32 v55, v1  }
0x5d: {  	vm5 =	vgt.s32 v10, $0x1869F;
	[tilespmem:$0x105B0] =	vst v5;
	v5 =	vadd.s32 v48, v1;
	vm11 =	vgt.s32 v11, $0x1869F  }
0x5e: {  	[tilespmem:$0x105E0] =	vst v4;
	v3 =	vsel vm5, v3, v10;
	v2 =	vsel vm7, v5, v2;
	v10 =	vadd.s32 v53, v1  }
0x5f: {  	v5 =	vsel vm8, v8, v6;
	[tilespmem:$0x105D0] =	vst v3;
	v3 =	vadd.s32 v52, v1;
	vm10 =	vgt.s32 v10, $0x1869F  }
0x60: {  	[tilespmem:$0x105F0] =	vst v2;
	v2 =	vadd.s32 v54, v1;
	v3 =	vsel vm9, v3, v9;
	v9 =	vadd.s32 v56, v1  }
0x61: {  	[tilespmem:$0x10600] =	vst v5;
	v2 =	vsel vm10, v2, v10;
	v10 =	vadd.s32 v57, v1;
	v4 =	vsel vm11, v9, v11  }
0x62: {  	[tilespmem:$0x10610] =	vst v3;
	vm12 =	vgt.s32 v10, $0x1869F;
	v3 =	vadd.s32 v58, v1;
	v11 =	vadd.s32 v59, v1  }
0x63: {  	[tilespmem:$0x10620] =	vst v2;
	v2 =	vadd.s32 v60, v1;
	v9 =	vadd.s32 v61, v1;
	vm13 =	vgt.s32 v11, $0x1869F  }
0x64: {  	v3 =	vsel vm12, v3, v10;
	[tilespmem:$0x10630] =	vst v4;
	vm14 =	vgt.s32 v9, $0x1869F;
	v10 =	vadd.s32 v63, v1  }
0x65: {  	v2 =	vsel vm13, v2, v11;
	[tilespmem:$0x10640] =	vst v3;
	v3 =	vadd.s32 v62, v1;
	v11 =	vor.u32 $0xFFFE7B50, v0  }
0x66: {  	vm15 =	vgt.s32 v10, $0x1869F;
	[tilespmem:$0x10650] =	vst v2;
	v2 =	vsel vm14, v3, v9;
	v1 =	vadd.s32 v11, v1  }
0x67: {  	[tilespmem:$0x10660] =	vst v2;
	v1 =	vsel vm15, v1, v10  }
0x68: {  	[tilespmem:$0x10670] =	vst v1  }
0x69: {  	s0 =	spop (v2sf);
	[tilespmem:$0x10700] =	vst v1  }
0x6a: {  	_ =	swait.ge [sflag:s13], $0x10000  }
0x6b: {  	s30 =	sadd.s32 s1, s0;
	[sflag:s13] =	ssyncset.done $0x0  }
0x6c: {  	p0 =	sgt.s32 s30, $0x1869F;
	s0 =	sadd.s32 $0xFFFE7960, s30;
	[sflag:s13] =	ssyncadd.s32 $0xFFFF0000  }
0x6d: {  	s30 =	smov.u32 @p0 s0;
	_ =	swait.ge [sflag:s14], $0x200  }
0x6e: {  	s0 =	ssub.s32 $0x0, s30;
	[sflag:s14] =	ssyncset.done $0x0  }
0x6f: {  	s31 =	sand.u32 $0x7, s0;
	[sflag:s14] =	ssyncadd.s32 $0xFFFFFE00  }
0x70: {  	v1 =	vld [tilespmem:s31+$0x10080];
	_ =	sdelay $0x4  }
0x71: {  	[tilespmem:$0x10280] =	vst v1  }
0x72: {  	v1 =	vld [tilespmem:s31+$0x10090];
	_ =	sdelay $0x4  }
0x73: {  	[tilespmem:$0x10290] =	vst v1  }
0x74: {  	v1 =	vld [tilespmem:s31+$0x100A0];
	_ =	sdelay $0x4  }
0x75: {  	[tilespmem:$0x102A0] =	vst v1  }
0x76: {  	v1 =	vld [tilespmem:s31+$0x100B0];
	_ =	sdelay $0x4  }
0x77: {  	[tilespmem:$0x102B0] =	vst v1  }
0x78: {  	v1 =	vld [tilespmem:s31+$0x100C0];
	_ =	sdelay $0x4  }
0x79: {  	[tilespmem:$0x102C0] =	vst v1  }
0x7a: {  	v1 =	vld [tilespmem:s31+$0x100D0];
	_ =	sdelay $0x4  }
0x7b: {  	[tilespmem:$0x102D0] =	vst v1  }
0x7c: {  	v1 =	vld [tilespmem:s31+$0x100E0];
	_ =	sdelay $0x4  }
0x7d: {  	[tilespmem:$0x102E0] =	vst v1  }
0x7e: {  	v1 =	vld [tilespmem:s31+$0x100F0];
	_ =	sdelay $0x4  }
0x7f: {  	[tilespmem:$0x102F0] =	vst v1  }
0x80: {  	v1 =	vld [tilespmem:s31+$0x10100];
	_ =	sdelay $0x4  }
0x81: {  	[tilespmem:$0x10300] =	vst v1  }
0x82: {  	v1 =	vld [tilespmem:s31+$0x10110];
	_ =	sdelay $0x4  }
0x83: {  	[tilespmem:$0x10310] =	vst v1  }
0x84: {  	v1 =	vld [tilespmem:s31+$0x10120];
	_ =	sdelay $0x4  }
0x85: {  	[tilespmem:$0x10320] =	vst v1  }
0x86: {  	v1 =	vld [tilespmem:s31+$0x10130];
	_ =	sdelay $0x4  }
0x87: {  	[tilespmem:$0x10330] =	vst v1  }
0x88: {  	v1 =	vld [tilespmem:s31+$0x10140];
	_ =	sdelay $0x4  }
0x89: {  	[tilespmem:$0x10340] =	vst v1  }
0x8a: {  	v1 =	vld [tilespmem:s31+$0x10150];
	_ =	sdelay $0x4  }
0x8b: {  	[tilespmem:$0x10350] =	vst v1  }
0x8c: {  	v1 =	vld [tilespmem:s31+$0x10160];
	_ =	sdelay $0x4  }
0x8d: {  	[tilespmem:$0x10360] =	vst v1  }
0x8e: {  	v1 =	vld [tilespmem:s31+$0x10170];
	_ =	sdelay $0x4  }
0x8f: {  	[tilespmem:$0x10370] =	vst v1  }
0x90: {  	v1 =	vld [tilespmem:s31+$0x10180];
	_ =	sdelay $0x4  }
0x91: {  	[tilespmem:$0x10380] =	vst v1  }
0x92: {  	v1 =	vld [tilespmem:s31+$0x10190];
	_ =	sdelay $0x4  }
0x93: {  	[tilespmem:$0x10390] =	vst v1  }
0x94: {  	v1 =	vld [tilespmem:s31+$0x101A0];
	_ =	sdelay $0x4  }
0x95: {  	[tilespmem:$0x103A0] =	vst v1  }
0x96: {  	v1 =	vld [tilespmem:s31+$0x101B0];
	_ =	sdelay $0x4  }
0x97: {  	[tilespmem:$0x103B0] =	vst v1  }
0x98: {  	v1 =	vld [tilespmem:s31+$0x101C0];
	_ =	sdelay $0x4  }
0x99: {  	[tilespmem:$0x103C0] =	vst v1  }
0x9a: {  	v1 =	vld [tilespmem:s31+$0x101D0];
	_ =	sdelay $0x4  }
0x9b: {  	[tilespmem:$0x103D0] =	vst v1  }
0x9c: {  	v1 =	vld [tilespmem:s31+$0x101E0];
	_ =	sdelay $0x4  }
0x9d: {  	[tilespmem:$0x103E0] =	vst v1  }
0x9e: {  	v1 =	vld [tilespmem:s31+$0x101F0];
	_ =	sdelay $0x4  }
0x9f: {  	[tilespmem:$0x103F0] =	vst v1  }
0xa0: {  	v1 =	vld [tilespmem:s31+$0x10200];
	_ =	sdelay $0x4  }
0xa1: {  	[tilespmem:$0x10400] =	vst v1  }
0xa2: {  	v1 =	vld [tilespmem:s31+$0x10210];
	_ =	sdelay $0x4  }
0xa3: {  	[tilespmem:$0x10410] =	vst v1  }
0xa4: {  	v1 =	vld [tilespmem:s31+$0x10220];
	_ =	sdelay $0x4  }
0xa5: {  	[tilespmem:$0x10420] =	vst v1  }
0xa6: {  	v1 =	vld [tilespmem:s31+$0x10230];
	_ =	sdelay $0x4  }
0xa7: {  	[tilespmem:$0x10430] =	vst v1  }
0xa8: {  	v1 =	vld [tilespmem:s31+$0x10240];
	_ =	sdelay $0x4  }
0xa9: {  	[tilespmem:$0x10440] =	vst v1  }
0xaa: {  	v1 =	vld [tilespmem:s31+$0x10250];
	_ =	sdelay $0x4  }
0xab: {  	[tilespmem:$0x10450] =	vst v1  }
0xac: {  	p0 =	slt.s32 s30, $0x184A1;
	v1 =	vld [tilespmem:s31+$0x10260]  }
.Ltmp2:
0xad: {  	_ = 	snop;
	(pc) =	sbr.rel @p0 .LBB2_7-.Ltmp2, $2  }
0xae: {  	_ =	sdelay $0x2  }
0xaf: {  	[tilespmem:$0x10460] =	vst v1  }
0xb0: {  	s3 =	sshll.u32 s30, $0x7;
	s15 =	sadd.s32 $0x0, s30  }
0xb1: {  	p0 =	sgt.s32 s15, $0x1869F;
	s15 =	sadd.s32 $0xFF3CB000, s3  }
0xb2: {  	s21 =	sadd.s32 $0x80, s3;
	s3 =	smov.u32 @p0 s15  }
0xb3: {  	s3 =	sshrl.u32 s3, $0x3  }
0xb4: {  	s0 =	simm.s32 $0x80;
	s15 =	sadd.s32 $0x1, s30;
	s3 =	sadd.s32 s2, s3  }
0xb5: {  	[hbm4b:s3+s5] =	stream.linear.scatter [tilespmem:s0], [sflag:$0x4], $0x80, $0x38;
	[tilespmem:$0x10780] =	vst v63  }
0xb6: {  	s31 =	simm.s32 $0x100;
	p0 =	sgt.s32 s15, $0x1869F;
	s0 =	sadd.s32 $0xFF3CB000, s21  }
0xb7: {  	s3 =	sadd.s32 $0x80, s21;
	s21 =	smov.u32 @p0 s0;
	_ =	swait.ge [sflag:s12], $0x80  }
0xb8: {  	s0 =	simm.s32 $0x2;
	s15 =	sshrl.u32 s21, $0x3;
	[sflag:s12] =	ssyncset.done $0x0  }
.LBB2_3:
0xb9: {  	s21 =	sadd.s32 s0, s30;
	s15 =	sadd.s32 s2, s15;
	[sflag:s12] =	ssyncadd.s32 $0xFFFFFF80  }
0xba: {  	[hbm4b:s15+s5] =	stream.linear.scatter [tilespmem:s31], [sflag:$0x4], $0x80, $0x38;
	[tilespmem:$0x10780] =	vst v63  }
0xbb: {  	p0 =	sgt.s32 s21, $0x1869F;
	s15 =	sadd.s32 $0xFF3CB000, s3;
	s21 =	smov.u32 s3  }
0xbc: {  	s21 =	smov.u32 @p0 s15;
	p0 =	sne.s32 s0, $0x1FF  }
.Ltmp3:
0xbd: {  	_ = 	snop;
	(pc) =	sbr.rel @p0 .LBB2_3-.Ltmp3, $4  }
0xbe: {  	_ = 	snop  }
0xbf: {  	s31 =	sadd.s32 $0x80, s31  }
0xc0: {  	s3 =	sadd.s32 $0x80, s3;
	s15 =	sshrl.u32 s21, $0x3;
	_ =	swait.ge [sflag:s12], $0x80  }
0xc1: {  	s0 =	sadd.s32 $0x1, s0;
	[sflag:s12] =	ssyncset.done $0x0  }
0xc2: {  	s0 =	sadd.s32 s2, s15;
	[sflag:s12] =	ssyncadd.s32 $0xFFFFFF80  }
0xc3: {  	[hbm4b:s0+s5] =	stream.linear.scatter [tilespmem:s31], [sflag:$0x4], $0x80, $0x38;
	[tilespmem:$0x10780] =	vst v63  }
0xc4: {  	_ =	swait.ge [sflag:s12], $0x80  }
0xc5: {  	[sflag:s12] =	ssyncset.done $0x0  }
0xc6: {  	s31 =	simm.s32 $0x10480;
	[sflag:s12] =	ssyncadd.s32 $0xFFFFFF80  }
0xc7: {  	[hbm4b:s4+s10] =	stream.indirect.scatter [tilespmem:s11], [sflag:$0x2], $0x1, s31, s10, $0xb8;
	[tilespmem:$0x10780] =	vst v63  }
0xc8: {  	_ = 	snop  }
0xc9: {  	[hbm4b:s4+s10] =	stream.indirect.scatter [tilespmem:s23], [sflag:$0x2], $0x1, s22, s10, $0xb8;
	[tilespmem:$0x10780] =	vst v63  }
0xca: {  	_ = 	snop  }
0xcb: {  	[hbm4b:s4+s10] =	stream.indirect.scatter [tilespmem:s25], [sflag:$0x2], $0x1, s24, s10, $0xb8;
	[tilespmem:$0x10780] =	vst v63  }
0xcc: {  	_ = 	snop  }
0xcd: {  	[hbm4b:s4+s10] =	stream.indirect.scatter [tilespmem:s28], [sflag:$0x2], $0x1, s26, s10, $0xb8;
	[tilespmem:$0x10780] =	vst v63  }
0xce: {  	_ =	swait.ge [sflag:s14], $0x80  }
0xcf: {  	[sflag:s14] =	ssyncset.done $0x0  }
0xd0: {  	[sflag:s14] =	ssyncadd.s32 $0xFFFFFF80  }
0xd1: {  	_ =	swait.ge [sflag:s14], $0x80  }
0xd2: {  	[sflag:s14] =	ssyncset.done $0x0  }
0xd3: {  	[sflag:s14] =	ssyncadd.s32 $0xFFFFFF80  }
0xd4: {  	_ =	swait.ge [sflag:s14], $0x80  }
.Ltmp4:
0xd5: {  	[sflag:s14] =	ssyncset.done $0x0;
	(pc) =	sbr.rel .LBB2_5-.Ltmp4, $4  }
0xd6: {  	[sflag:s14] =	ssyncadd.s32 $0xFFFFFF80  }
0xd7: {  	_ =	swait.ge [sflag:s14], $0x80  }
0xd8: {  	[sflag:s14] =	ssyncset.done $0x0  }
0xd9: {  	[sflag:s14] =	ssyncadd.s32 $0xFFFFFF80  }
.LBB2_6:
0xda: {  	_ =	sfence.sel $0x180000  }
0xdb: {  	[bflag:$0x0] =	sbarrier.arrive $0xFFFF  }
0xdc: {  	_ =	strace $0x90000047  }
0xdd: {  	s0 =	stileid.u32;
	[bflag:$0x2] =	sbarrier.arrive $0xFFFF  }
0xde: {  	p0 =	sne.s32 s0, $0x0;
	s0 =	rddreg [dreg:$0x5]  }
0xdf: {  	s0 =	sadd.s32 @!p0 $0x100000, s0  }
0xe0: {  	[sflag:s0] =	ssyncadd.tile.s32 @!p0 $0x1;
	_ =	shalt  }
.Lfunc_end2:
_tile_overlayer_lowered:
.L_overlay_start_2:
0xe1: {  	(tag) =	ssettag $0x2  }
0xe2: {  	s0 =	rddreg [dreg:$0x0];
	s2 =	stileid.u32  }
0xe3: {  	s1 =	rddreg [dreg:$0x1];
	p0 =	sne.s32 s2, $0x0  }
0xe4: {  	s3 =	rddreg [dreg:$0x2];
	[bflag:$0x3] =	sbarrier.arrive $0xFFFF;
	s2 =	simm.s32 @!p0 $0x1C04  }
0xe5: {  	[timem:s3], [sflag:s2] =	dma.local @!p0 [hbm:s0], s1  }
0xe6: {  	s0 =	simm.s32 @!p0 $0x4  }
0xe7: {  	_ =	swait.ge @!p0 [sflag:s0], s1  }
0xe8: {  	s1 =	ssub.s32 @!p0 $0x0, s1;
	[sflag:s0] =	ssyncset.done @!p0 $0x0  }
0xe9: {  	[sflag:s0] =	ssyncadd.s32 @!p0 s1  }
0xea: {  	[bflag:$0x3] =	sbarrier.arrive $0xFFFF  }
0xeb: {  	_ =	shalt  }

</sc_bundles>
